<compile_context>
chip_gen: v7x
topology: tpu7x:2x2x1
jax: 0.10.2.dev20260603
libtpu: 0.0.44.dev20260713+nightly
codegen_flags: <defaults>
</compile_context>

<pallas_src>
import functools
import math

import jax
import jax.numpy as jnp
from jax import lax
from jax.experimental import pallas as pl
from jax.experimental.pallas import tpu as pltpu
from jax.experimental.pallas import tpu_sc as plsc

_N = 8192
_LANES = 16
_NSUB = 16
_CHUNK = _N // _NSUB
_VPT = _CHUNK // _LANES

_LOGN = math.log(float(_N))
_T1 = float(0.3 * _LOGN)
_T2 = float(0.6 * _LOGN)
_T3 = float(0.7 * _LOGN)
_C21 = float(math.exp(_T2 - _T1))
_C31 = float(math.exp(_T3 - _T1))


def _xlane(v, op):
    for d in (1, 2, 4, 8):
        idx = lax.iota(jnp.int32, _LANES) ^ d
        v = op(v, v[idx])
    return v


_mesh = plsc.VectorSubcoreMesh(
    core_axis_name="c", subcore_axis_name="s", num_cores=1)


@functools.partial(
    pl.kernel,
    mesh=_mesh,
    out_type=jax.ShapeDtypeStruct((_LANES,), jnp.int32),
    scratch_types=[
        pltpu.VMEM((_CHUNK,), jnp.float32),
        pltpu.VMEM((2, _LANES), jnp.float32),
        pltpu.VMEM_SHARED((_NSUB, 2, _LANES), jnp.float32),
        pltpu.VMEM((_NSUB, 2, _LANES), jnp.float32),
        pltpu.VMEM((_LANES,), jnp.int32),
    ],
)
def _entropy_topk(scores_hbm, out_hbm, chunk_v, stage_v, shared, all_v, out_v):
    sid = lax.axis_index("s")

    pltpu.sync_copy(scores_hbm.at[pl.ds(sid * _CHUNK, _CHUNK)], chunk_v)

    s0 = jnp.zeros((_LANES,), jnp.float32)
    a0 = jnp.zeros((_LANES,), jnp.float32)
    s1 = jnp.zeros((_LANES,), jnp.float32)
    a1 = jnp.zeros((_LANES,), jnp.float32)
    for i in range(0, _VPT, 2):
        x0 = chunk_v[pl.ds(i * _LANES, _LANES)]
        x1 = chunk_v[pl.ds((i + 1) * _LANES, _LANES)]
        e0 = jnp.exp(x0)
        e1 = jnp.exp(x1)
        s0 = s0 + e0
        a0 = a0 + e0 * x0
        s1 = s1 + e1
        a1 = a1 + e1 * x1

    stage_v[0, :] = s0 + s1
    stage_v[1, :] = a0 + a1
    pltpu.sync_copy(stage_v, shared.at[sid])
    plsc.subcore_barrier()

    @pl.when(sid == 0)
    def _():
        pltpu.sync_copy(shared, all_v)
        S = all_v[0, 0, :]
        A = all_v[0, 1, :]
        for w in range(1, _NSUB):
            S = S + all_v[w, 0, :]
            A = A + all_v[w, 1, :]
        sv = _xlane(S, jnp.add)
        rv = _xlane(A, jnp.add) / sv
        e1 = jnp.exp(rv + _T1)
        c1 = sv < e1
        c2 = sv < e1 * _C21
        c3 = sv < e1 * _C31
        k2 = jnp.full((_LANES,), 2, jnp.int32)
        k4 = jnp.full((_LANES,), 4, jnp.int32)
        k8 = jnp.full((_LANES,), 8, jnp.int32)
        k32 = jnp.full((_LANES,), 32, jnp.int32)
        kv = jnp.where(c1, k2, jnp.where(c2, k4, jnp.where(c3, k8, k32)))
        out_v[...] = kv
        pltpu.sync_copy(out_v, out_hbm)


def kernel(scores):
    return _entropy_topk(scores)[0]

# --- scband reference (transcript-rebuilt; emitter-appended) ---
"""Pipeline reference for scband-adaptive-top-krouter-26414048871134 (READ-ONLY COPY).

The authoritative reference and input builder live on the scoring server;
editing this copy changes nothing except your own understanding.
"""

import jax, jax.numpy as jnp
import numpy as np

MIN_K = 2
MAX_K = 32
ENTROPY_THRESHOLD = 0.7

def setup_inputs(seed: int = 0) -> dict:
    key = jax.random.key(seed)
    scores = jax.random.normal(key, (8192,), dtype=jnp.float32)
    return {"scores": scores}

def reference(scores):
    # Faithful translation of AdaptiveTopKRouter.select_k
    probs = jax.nn.softmax(scores, axis=-1)
    entropy = -(probs * jnp.log(probs + 1e-10)).sum()
    max_entropy = jnp.log(jnp.asarray(float(scores.shape[-1]), dtype=jnp.float32))
    norm_entropy = entropy / max_entropy
    k_mid = min(MIN_K * 2, MAX_K)
    k_hi = min(MIN_K * 4, MAX_K)
    k = jnp.where(norm_entropy < 0.3, MIN_K,
        jnp.where(norm_entropy < 0.6, k_mid,
        jnp.where(norm_entropy < ENTROPY_THRESHOLD, k_hi, MAX_K)))
    return k.astype(jnp.int32)

if __name__ == "__main__":
    import jax
    _d = setup_inputs()
    print(jax.jit(kernel)(*tuple(_d.values())))

</pallas_src>

<mosaic_0001>
#map = affine_map<(d0, d1) -> (0)>
module attributes {stable_mosaic.version = 14 : i64} {
  func.func @_entropy_topk(%arg0: i32, %arg1: i32, %arg2: memref<8192xf32, #tpu.memory_space<hbm>>, %arg3: memref<16xi32, #tpu.memory_space<hbm>>, %arg4: memref<512xf32, #tpu.memory_space<vmem>>, %arg5: memref<2x16xf32, #tpu.memory_space<vmem>>, %arg6: memref<16x2x16xf32, #tpu.memory_space<vmem_shared>>, %arg7: memref<16x2x16xf32, #tpu.memory_space<vmem>>, %arg8: memref<16xi32, #tpu.memory_space<vmem>>) attributes {dimension_semantics = [#tpu.dimension_semantics<core_parallel>, #tpu.dimension_semantics<subcore_parallel>], iteration_bounds = array<i64: 1, 16>, scalar_prefetch = 0 : i64, scratch_operands = 5 : i64, tpu.core_type = #tpu.core_type<sc_vector_subcore>, window_params = [{transform_indices = #map}, {transform_indices = #map}]} {
    %mul3A = arith.constant 512 : i32
    %mul3A_0 = arith.muli %arg1, %mul3A : i32
    "tpu.region"() ({
      %run_scoped3A = tpu.sem_alloc : memref<!tpu.dma_semaphore, #tpu.memory_space<semaphore_mem>>
      %dma_start3A = tpu.memref_slice %arg2[%mul3A_0] : memref<8192xf32, #tpu.memory_space<hbm>> -> memref<512xf32, #tpu.memory_space<hbm>>
      %dma_start3A_244 = tpu.memref_slice %arg2[%mul3A_0] : memref<8192xf32, #tpu.memory_space<hbm>> -> memref<512xf32, #tpu.memory_space<hbm>>
      tpu.enqueue_dma source(%dma_start3A_244 : memref<512xf32, #tpu.memory_space<hbm>>) target(%arg4 : memref<512xf32, #tpu.memory_space<vmem>>) target_semaphore(%run_scoped3A : memref<!tpu.dma_semaphore, #tpu.memory_space<semaphore_mem>>)
      %dma_wait3A = tpu.memref_slice %arg2[%mul3A_0] : memref<8192xf32, #tpu.memory_space<hbm>> -> memref<512xf32, #tpu.memory_space<hbm>>
      %dma_wait3A_245 = tpu.memref_slice %arg2[%mul3A_0] : memref<8192xf32, #tpu.memory_space<hbm>> -> memref<512xf32, #tpu.memory_space<hbm>>
      tpu.wait_dma2 semaphore(%run_scoped3A : memref<!tpu.dma_semaphore, #tpu.memory_space<semaphore_mem>>) src(%dma_wait3A_245 : memref<512xf32, #tpu.memory_space<hbm>>) dst(%arg4 : memref<512xf32, #tpu.memory_space<vmem>>)
      tpu.yield
    }) : () -> ()
    %broadcast_in_dim3A = arith.constant 0.000000e+00 : f32
    %broadcast_in_dim3A_1 = vector.broadcast %broadcast_in_dim3A : f32 to vector<16xf32>
    %broadcast_in_dim3A_2 = arith.constant 0.000000e+00 : f32
    %broadcast_in_dim3A_3 = vector.broadcast %broadcast_in_dim3A_2 : f32 to vector<16xf32>
    %broadcast_in_dim3A_4 = arith.constant 0.000000e+00 : f32
    %broadcast_in_dim3A_5 = vector.broadcast %broadcast_in_dim3A_4 : f32 to vector<16xf32>
    %broadcast_in_dim3A_6 = arith.constant 0.000000e+00 : f32
    %broadcast_in_dim3A_7 = vector.broadcast %broadcast_in_dim3A_6 : f32 to vector<16xf32>
    %get3A = arith.constant 0 : index
    %get3A_8 = tpu.vector_load %arg4[%get3A] {strides = array<i32>} : memref<512xf32, #tpu.memory_space<vmem>>, vector<16xf32>,
    %get3A_9 = vector.shape_cast %get3A_8 : vector<16xf32> to vector<16xf32>
    %get3A_10 = arith.constant 16 : index
    %get3A_11 = tpu.vector_load %arg4[%get3A_10] {strides = array<i32>} : memref<512xf32, #tpu.memory_space<vmem>>, vector<16xf32>,
    %get3A_12 = vector.shape_cast %get3A_11 : vector<16xf32> to vector<16xf32>
    %exp3A = math.exp %get3A_9 : vector<16xf32>
    %exp3A_13 = math.exp %get3A_12 : vector<16xf32>
    %add3A = arith.addf %broadcast_in_dim3A_1, %exp3A : vector<16xf32>
    %mul3A_14 = arith.mulf %exp3A, %get3A_9 : vector<16xf32>
    %add3A_15 = arith.addf %broadcast_in_dim3A_3, %mul3A_14 : vector<16xf32>
    %add3A_16 = arith.addf %broadcast_in_dim3A_5, %exp3A_13 : vector<16xf32>
    %mul3A_17 = arith.mulf %exp3A_13, %get3A_12 : vector<16xf32>
    %add3A_18 = arith.addf %broadcast_in_dim3A_7, %mul3A_17 : vector<16xf32>
    %get3A_19 = arith.constant 32 : index
    %get3A_20 = tpu.vector_load %arg4[%get3A_19] {strides = array<i32>} : memref<512xf32, #tpu.memory_space<vmem>>, vector<16xf32>,
    %get3A_21 = vector.shape_cast %get3A_20 : vector<16xf32> to vector<16xf32>
    %get3A_22 = arith.constant 48 : index
    %get3A_23 = tpu.vector_load %arg4[%get3A_22] {strides = array<i32>} : memref<512xf32, #tpu.memory_space<vmem>>, vector<16xf32>,
    %get3A_24 = vector.shape_cast %get3A_23 : vector<16xf32> to vector<16xf32>
    %exp3A_25 = math.exp %get3A_21 : vector<16xf32>
    %exp3A_26 = math.exp %get3A_24 : vector<16xf32>
    %add3A_27 = arith.addf %add3A, %exp3A_25 : vector<16xf32>
    %mul3A_28 = arith.mulf %exp3A_25, %get3A_21 : vector<16xf32>
    %add3A_29 = arith.addf %add3A_15, %mul3A_28 : vector<16xf32>
    %add3A_30 = arith.addf %add3A_16, %exp3A_26 : vector<16xf32>
    %mul3A_31 = arith.mulf %exp3A_26, %get3A_24 : vector<16xf32>
    %add3A_32 = arith.addf %add3A_18, %mul3A_31 : vector<16xf32>
    %get3A_33 = arith.constant 64 : index
    %get3A_34 = tpu.vector_load %arg4[%get3A_33] {strides = array<i32>} : memref<512xf32, #tpu.memory_space<vmem>>, vector<16xf32>,
    %get3A_35 = vector.shape_cast %get3A_34 : vector<16xf32> to vector<16xf32>
    %get3A_36 = arith.constant 80 : index
    %get3A_37 = tpu.vector_load %arg4[%get3A_36] {strides = array<i32>} : memref<512xf32, #tpu.memory_space<vmem>>, vector<16xf32>,
    %get3A_38 = vector.shape_cast %get3A_37 : vector<16xf32> to vector<16xf32>
    %exp3A_39 = math.exp %get3A_35 : vector<16xf32>
    %exp3A_40 = math.exp %get3A_38 : vector<16xf32>
    %add3A_41 = arith.addf %add3A_27, %exp3A_39 : vector<16xf32>
    %mul3A_42 = arith.mulf %exp3A_39, %get3A_35 : vector<16xf32>
    %add3A_43 = arith.addf %add3A_29, %mul3A_42 : vector<16xf32>
    %add3A_44 = arith.addf %add3A_30, %exp3A_40 : vector<16xf32>
    %mul3A_45 = arith.mulf %exp3A_40, %get3A_38 : vector<16xf32>
    %add3A_46 = arith.addf %add3A_32, %mul3A_45 : vector<16xf32>
    %get3A_47 = arith.constant 96 : index
    %get3A_48 = tpu.vector_load %arg4[%get3A_47] {strides = array<i32>} : memref<512xf32, #tpu.memory_space<vmem>>, vector<16xf32>,
    %get3A_49 = vector.shape_cast %get3A_48 : vector<16xf32> to vector<16xf32>
    %get3A_50 = arith.constant 112 : index
    %get3A_51 = tpu.vector_load %arg4[%get3A_50] {strides = array<i32>} : memref<512xf32, #tpu.memory_space<vmem>>, vector<16xf32>,
    %get3A_52 = vector.shape_cast %get3A_51 : vector<16xf32> to vector<16xf32>
    %exp3A_53 = math.exp %get3A_49 : vector<16xf32>
    %exp3A_54 = math.exp %get3A_52 : vector<16xf32>
    %add3A_55 = arith.addf %add3A_41, %exp3A_53 : vector<16xf32>
    %mul3A_56 = arith.mulf %exp3A_53, %get3A_49 : vector<16xf32>
    %add3A_57 = arith.addf %add3A_43, %mul3A_56 : vector<16xf32>
    %add3A_58 = arith.addf %add3A_44, %exp3A_54 : vector<16xf32>
    %mul3A_59 = arith.mulf %exp3A_54, %get3A_52 : vector<16xf32>
    %add3A_60 = arith.addf %add3A_46, %mul3A_59 : vector<16xf32>
    %get3A_61 = arith.constant 128 : index
    %get3A_62 = tpu.vector_load %arg4[%get3A_61] {strides = array<i32>} : memref<512xf32, #tpu.memory_space<vmem>>, vector<16xf32>,
    %get3A_63 = vector.shape_cast %get3A_62 : vector<16xf32> to vector<16xf32>
    %get3A_64 = arith.constant 144 : index
    %get3A_65 = tpu.vector_load %arg4[%get3A_64] {strides = array<i32>} : memref<512xf32, #tpu.memory_space<vmem>>, vector<16xf32>,
    %get3A_66 = vector.shape_cast %get3A_65 : vector<16xf32> to vector<16xf32>
    %exp3A_67 = math.exp %get3A_63 : vector<16xf32>
    %exp3A_68 = math.exp %get3A_66 : vector<16xf32>
    %add3A_69 = arith.addf %add3A_55, %exp3A_67 : vector<16xf32>
    %mul3A_70 = arith.mulf %exp3A_67, %get3A_63 : vector<16xf32>
    %add3A_71 = arith.addf %add3A_57, %mul3A_70 : vector<16xf32>
    %add3A_72 = arith.addf %add3A_58, %exp3A_68 : vector<16xf32>
    %mul3A_73 = arith.mulf %exp3A_68, %get3A_66 : vector<16xf32>
    %add3A_74 = arith.addf %add3A_60, %mul3A_73 : vector<16xf32>
    %get3A_75 = arith.constant 160 : index
    %get3A_76 = tpu.vector_load %arg4[%get3A_75] {strides = array<i32>} : memref<512xf32, #tpu.memory_space<vmem>>, vector<16xf32>,
    %get3A_77 = vector.shape_cast %get3A_76 : vector<16xf32> to vector<16xf32>
    %get3A_78 = arith.constant 176 : index
    %get3A_79 = tpu.vector_load %arg4[%get3A_78] {strides = array<i32>} : memref<512xf32, #tpu.memory_space<vmem>>, vector<16xf32>,
    %get3A_80 = vector.shape_cast %get3A_79 : vector<16xf32> to vector<16xf32>
    %exp3A_81 = math.exp %get3A_77 : vector<16xf32>
    %exp3A_82 = math.exp %get3A_80 : vector<16xf32>
    %add3A_83 = arith.addf %add3A_69, %exp3A_81 : vector<16xf32>
    %mul3A_84 = arith.mulf %exp3A_81, %get3A_77 : vector<16xf32>
    %add3A_85 = arith.addf %add3A_71, %mul3A_84 : vector<16xf32>
    %add3A_86 = arith.addf %add3A_72, %exp3A_82 : vector<16xf32>
    %mul3A_87 = arith.mulf %exp3A_82, %get3A_80 : vector<16xf32>
    %add3A_88 = arith.addf %add3A_74, %mul3A_87 : vector<16xf32>
    %get3A_89 = arith.constant 192 : index
    %get3A_90 = tpu.vector_load %arg4[%get3A_89] {strides = array<i32>} : memref<512xf32, #tpu.memory_space<vmem>>, vector<16xf32>,
    %get3A_91 = vector.shape_cast %get3A_90 : vector<16xf32> to vector<16xf32>
    %get3A_92 = arith.constant 208 : index
    %get3A_93 = tpu.vector_load %arg4[%get3A_92] {strides = array<i32>} : memref<512xf32, #tpu.memory_space<vmem>>, vector<16xf32>,
    %get3A_94 = vector.shape_cast %get3A_93 : vector<16xf32> to vector<16xf32>
    %exp3A_95 = math.exp %get3A_91 : vector<16xf32>
    %exp3A_96 = math.exp %get3A_94 : vector<16xf32>
    %add3A_97 = arith.addf %add3A_83, %exp3A_95 : vector<16xf32>
    %mul3A_98 = arith.mulf %exp3A_95, %get3A_91 : vector<16xf32>
    %add3A_99 = arith.addf %add3A_85, %mul3A_98 : vector<16xf32>
    %add3A_100 = arith.addf %add3A_86, %exp3A_96 : vector<16xf32>
    %mul3A_101 = arith.mulf %exp3A_96, %get3A_94 : vector<16xf32>
    %add3A_102 = arith.addf %add3A_88, %mul3A_101 : vector<16xf32>
    %get3A_103 = arith.constant 224 : index
    %get3A_104 = tpu.vector_load %arg4[%get3A_103] {strides = array<i32>} : memref<512xf32, #tpu.memory_space<vmem>>, vector<16xf32>,
    %get3A_105 = vector.shape_cast %get3A_104 : vector<16xf32> to vector<16xf32>
    %get3A_106 = arith.constant 240 : index
    %get3A_107 = tpu.vector_load %arg4[%get3A_106] {strides = array<i32>} : memref<512xf32, #tpu.memory_space<vmem>>, vector<16xf32>,
    %get3A_108 = vector.shape_cast %get3A_107 : vector<16xf32> to vector<16xf32>
    %exp3A_109 = math.exp %get3A_105 : vector<16xf32>
    %exp3A_110 = math.exp %get3A_108 : vector<16xf32>
    %add3A_111 = arith.addf %add3A_97, %exp3A_109 : vector<16xf32>
    %mul3A_112 = arith.mulf %exp3A_109, %get3A_105 : vector<16xf32>
    %add3A_113 = arith.addf %add3A_99, %mul3A_112 : vector<16xf32>
    %add3A_114 = arith.addf %add3A_100, %exp3A_110 : vector<16xf32>
    %mul3A_115 = arith.mulf %exp3A_110, %get3A_108 : vector<16xf32>
    %add3A_116 = arith.addf %add3A_102, %mul3A_115 : vector<16xf32>
    %get3A_117 = arith.constant 256 : index
    %get3A_118 = tpu.vector_load %arg4[%get3A_117] {strides = array<i32>} : memref<512xf32, #tpu.memory_space<vmem>>, vector<16xf32>,
    %get3A_119 = vector.shape_cast %get3A_118 : vector<16xf32> to vector<16xf32>
    %get3A_120 = arith.constant 272 : index
    %get3A_121 = tpu.vector_load %arg4[%get3A_120] {strides = array<i32>} : memref<512xf32, #tpu.memory_space<vmem>>, vector<16xf32>,
    %get3A_122 = vector.shape_cast %get3A_121 : vector<16xf32> to vector<16xf32>
    %exp3A_123 = math.exp %get3A_119 : vector<16xf32>
    %exp3A_124 = math.exp %get3A_122 : vector<16xf32>
    %add3A_125 = arith.addf %add3A_111, %exp3A_123 : vector<16xf32>
    %mul3A_126 = arith.mulf %exp3A_123, %get3A_119 : vector<16xf32>
    %add3A_127 = arith.addf %add3A_113, %mul3A_126 : vector<16xf32>
    %add3A_128 = arith.addf %add3A_114, %exp3A_124 : vector<16xf32>
    %mul3A_129 = arith.mulf %exp3A_124, %get3A_122 : vector<16xf32>
    %add3A_130 = arith.addf %add3A_116, %mul3A_129 : vector<16xf32>
    %get3A_131 = arith.constant 288 : index
    %get3A_132 = tpu.vector_load %arg4[%get3A_131] {strides = array<i32>} : memref<512xf32, #tpu.memory_space<vmem>>, vector<16xf32>,
    %get3A_133 = vector.shape_cast %get3A_132 : vector<16xf32> to vector<16xf32>
    %get3A_134 = arith.constant 304 : index
    %get3A_135 = tpu.vector_load %arg4[%get3A_134] {strides = array<i32>} : memref<512xf32, #tpu.memory_space<vmem>>, vector<16xf32>,
    %get3A_136 = vector.shape_cast %get3A_135 : vector<16xf32> to vector<16xf32>
    %exp3A_137 = math.exp %get3A_133 : vector<16xf32>
    %exp3A_138 = math.exp %get3A_136 : vector<16xf32>
    %add3A_139 = arith.addf %add3A_125, %exp3A_137 : vector<16xf32>
    %mul3A_140 = arith.mulf %exp3A_137, %get3A_133 : vector<16xf32>
    %add3A_141 = arith.addf %add3A_127, %mul3A_140 : vector<16xf32>
    %add3A_142 = arith.addf %add3A_128, %exp3A_138 : vector<16xf32>
    %mul3A_143 = arith.mulf %exp3A_138, %get3A_136 : vector<16xf32>
    %add3A_144 = arith.addf %add3A_130, %mul3A_143 : vector<16xf32>
    %get3A_145 = arith.constant 320 : index
    %get3A_146 = tpu.vector_load %arg4[%get3A_145] {strides = array<i32>} : memref<512xf32, #tpu.memory_space<vmem>>, vector<16xf32>,
    %get3A_147 = vector.shape_cast %get3A_146 : vector<16xf32> to vector<16xf32>
    %get3A_148 = arith.constant 336 : index
    %get3A_149 = tpu.vector_load %arg4[%get3A_148] {strides = array<i32>} : memref<512xf32, #tpu.memory_space<vmem>>, vector<16xf32>,
    %get3A_150 = vector.shape_cast %get3A_149 : vector<16xf32> to vector<16xf32>
    %exp3A_151 = math.exp %get3A_147 : vector<16xf32>
    %exp3A_152 = math.exp %get3A_150 : vector<16xf32>
    %add3A_153 = arith.addf %add3A_139, %exp3A_151 : vector<16xf32>
    %mul3A_154 = arith.mulf %exp3A_151, %get3A_147 : vector<16xf32>
    %add3A_155 = arith.addf %add3A_141, %mul3A_154 : vector<16xf32>
    %add3A_156 = arith.addf %add3A_142, %exp3A_152 : vector<16xf32>
    %mul3A_157 = arith.mulf %exp3A_152, %get3A_150 : vector<16xf32>
    %add3A_158 = arith.addf %add3A_144, %mul3A_157 : vector<16xf32>
    %get3A_159 = arith.constant 352 : index
    %get3A_160 = tpu.vector_load %arg4[%get3A_159] {strides = array<i32>} : memref<512xf32, #tpu.memory_space<vmem>>, vector<16xf32>,
    %get3A_161 = vector.shape_cast %get3A_160 : vector<16xf32> to vector<16xf32>
    %get3A_162 = arith.constant 368 : index
    %get3A_163 = tpu.vector_load %arg4[%get3A_162] {strides = array<i32>} : memref<512xf32, #tpu.memory_space<vmem>>, vector<16xf32>,
    %get3A_164 = vector.shape_cast %get3A_163 : vector<16xf32> to vector<16xf32>
    %exp3A_165 = math.exp %get3A_161 : vector<16xf32>
    %exp3A_166 = math.exp %get3A_164 : vector<16xf32>
    %add3A_167 = arith.addf %add3A_153, %exp3A_165 : vector<16xf32>
    %mul3A_168 = arith.mulf %exp3A_165, %get3A_161 : vector<16xf32>
    %add3A_169 = arith.addf %add3A_155, %mul3A_168 : vector<16xf32>
    %add3A_170 = arith.addf %add3A_156, %exp3A_166 : vector<16xf32>
    %mul3A_171 = arith.mulf %exp3A_166, %get3A_164 : vector<16xf32>
    %add3A_172 = arith.addf %add3A_158, %mul3A_171 : vector<16xf32>
    %get3A_173 = arith.constant 384 : index
    %get3A_174 = tpu.vector_load %arg4[%get3A_173] {strides = array<i32>} : memref<512xf32, #tpu.memory_space<vmem>>, vector<16xf32>,
    %get3A_175 = vector.shape_cast %get3A_174 : vector<16xf32> to vector<16xf32>
    %get3A_176 = arith.constant 400 : index
    %get3A_177 = tpu.vector_load %arg4[%get3A_176] {strides = array<i32>} : memref<512xf32, #tpu.memory_space<vmem>>, vector<16xf32>,
    %get3A_178 = vector.shape_cast %get3A_177 : vector<16xf32> to vector<16xf32>
    %exp3A_179 = math.exp %get3A_175 : vector<16xf32>
    %exp3A_180 = math.exp %get3A_178 : vector<16xf32>
    %add3A_181 = arith.addf %add3A_167, %exp3A_179 : vector<16xf32>
    %mul3A_182 = arith.mulf %exp3A_179, %get3A_175 : vector<16xf32>
    %add3A_183 = arith.addf %add3A_169, %mul3A_182 : vector<16xf32>
    %add3A_184 = arith.addf %add3A_170, %exp3A_180 : vector<16xf32>
    %mul3A_185 = arith.mulf %exp3A_180, %get3A_178 : vector<16xf32>
    %add3A_186 = arith.addf %add3A_172, %mul3A_185 : vector<16xf32>
    %get3A_187 = arith.constant 416 : index
    %get3A_188 = tpu.vector_load %arg4[%get3A_187] {strides = array<i32>} : memref<512xf32, #tpu.memory_space<vmem>>, vector<16xf32>,
    %get3A_189 = vector.shape_cast %get3A_188 : vector<16xf32> to vector<16xf32>
    %get3A_190 = arith.constant 432 : index
    %get3A_191 = tpu.vector_load %arg4[%get3A_190] {strides = array<i32>} : memref<512xf32, #tpu.memory_space<vmem>>, vector<16xf32>,
    %get3A_192 = vector.shape_cast %get3A_191 : vector<16xf32> to vector<16xf32>
    %exp3A_193 = math.exp %get3A_189 : vector<16xf32>
    %exp3A_194 = math.exp %get3A_192 : vector<16xf32>
    %add3A_195 = arith.addf %add3A_181, %exp3A_193 : vector<16xf32>
    %mul3A_196 = arith.mulf %exp3A_193, %get3A_189 : vector<16xf32>
    %add3A_197 = arith.addf %add3A_183, %mul3A_196 : vector<16xf32>
    %add3A_198 = arith.addf %add3A_184, %exp3A_194 : vector<16xf32>
    %mul3A_199 = arith.mulf %exp3A_194, %get3A_192 : vector<16xf32>
    %add3A_200 = arith.addf %add3A_186, %mul3A_199 : vector<16xf32>
    %get3A_201 = arith.constant 448 : index
    %get3A_202 = tpu.vector_load %arg4[%get3A_201] {strides = array<i32>} : memref<512xf32, #tpu.memory_space<vmem>>, vector<16xf32>,
    %get3A_203 = vector.shape_cast %get3A_202 : vector<16xf32> to vector<16xf32>
    %get3A_204 = arith.constant 464 : index
    %get3A_205 = tpu.vector_load %arg4[%get3A_204] {strides = array<i32>} : memref<512xf32, #tpu.memory_space<vmem>>, vector<16xf32>,
    %get3A_206 = vector.shape_cast %get3A_205 : vector<16xf32> to vector<16xf32>
    %exp3A_207 = math.exp %get3A_203 : vector<16xf32>
    %exp3A_208 = math.exp %get3A_206 : vector<16xf32>
    %add3A_209 = arith.addf %add3A_195, %exp3A_207 : vector<16xf32>
    %mul3A_210 = arith.mulf %exp3A_207, %get3A_203 : vector<16xf32>
    %add3A_211 = arith.addf %add3A_197, %mul3A_210 : vector<16xf32>
    %add3A_212 = arith.addf %add3A_198, %exp3A_208 : vector<16xf32>
    %mul3A_213 = arith.mulf %exp3A_208, %get3A_206 : vector<16xf32>
    %add3A_214 = arith.addf %add3A_200, %mul3A_213 : vector<16xf32>
    %get3A_215 = arith.constant 480 : index
    %get3A_216 = tpu.vector_load %arg4[%get3A_215] {strides = array<i32>} : memref<512xf32, #tpu.memory_space<vmem>>, vector<16xf32>,
    %get3A_217 = vector.shape_cast %get3A_216 : vector<16xf32> to vector<16xf32>
    %get3A_218 = arith.constant 496 : index
    %get3A_219 = tpu.vector_load %arg4[%get3A_218] {strides = array<i32>} : memref<512xf32, #tpu.memory_space<vmem>>, vector<16xf32>,
    %get3A_220 = vector.shape_cast %get3A_219 : vector<16xf32> to vector<16xf32>
    %exp3A_221 = math.exp %get3A_217 : vector<16xf32>
    %exp3A_222 = math.exp %get3A_220 : vector<16xf32>
    %add3A_223 = arith.addf %add3A_209, %exp3A_221 : vector<16xf32>
    %mul3A_224 = arith.mulf %exp3A_221, %get3A_217 : vector<16xf32>
    %add3A_225 = arith.addf %add3A_211, %mul3A_224 : vector<16xf32>
    %add3A_226 = arith.addf %add3A_212, %exp3A_222 : vector<16xf32>
    %mul3A_227 = arith.mulf %exp3A_222, %get3A_220 : vector<16xf32>
    %add3A_228 = arith.addf %add3A_214, %mul3A_227 : vector<16xf32>
    %add3A_229 = arith.addf %add3A_223, %add3A_226 : vector<16xf32>
    %swap3A = arith.constant 0 : i32
    %swap3A_230 = arith.index_cast %swap3A : i32 to index
    %swap3A_231 = arith.constant 0 : index
    %swap3A_232 = tpu.vector_load %arg5[%swap3A_230, %swap3A_231] {strides = array<i32>} : memref<2x16xf32, #tpu.memory_space<vmem>>, vector<1x16xf32>,
    %swap3A_233 = vector.shape_cast %swap3A_232 : vector<1x16xf32> to vector<16xf32>
    %swap3A_234 = vector.shape_cast %add3A_229 : vector<16xf32> to vector<1x16xf32>
    tpu.vector_store %arg5[%swap3A_230, %swap3A_231], %swap3A_234 {strides = array<i32>} : memref<2x16xf32, #tpu.memory_space<vmem>>, vector<1x16xf32>,
    %add3A_235 = arith.addf %add3A_225, %add3A_228 : vector<16xf32>
    %swap3A_236 = arith.constant 1 : i32
    %swap3A_237 = arith.index_cast %swap3A_236 : i32 to index
    %swap3A_238 = arith.constant 0 : index
    %swap3A_239 = tpu.vector_load %arg5[%swap3A_237, %swap3A_238] {strides = array<i32>} : memref<2x16xf32, #tpu.memory_space<vmem>>, vector<1x16xf32>,
    %swap3A_240 = vector.shape_cast %swap3A_239 : vector<1x16xf32> to vector<16xf32>
    %swap3A_241 = vector.shape_cast %add3A_235 : vector<16xf32> to vector<1x16xf32>
    tpu.vector_store %arg5[%swap3A_237, %swap3A_238], %swap3A_241 {strides = array<i32>} : memref<2x16xf32, #tpu.memory_space<vmem>>, vector<1x16xf32>,
    "tpu.region"() ({
      %run_scoped3A = tpu.sem_alloc : memref<!tpu.dma_semaphore, #tpu.memory_space<semaphore_mem>>
      %dma_start3A = arith.constant 0 : i32
      %dma_start3A_244 = arith.constant 0 : i32
      %dma_start3A_245 = tpu.memref_slice %arg6[%arg1, %dma_start3A, %dma_start3A_244] : memref<16x2x16xf32, #tpu.memory_space<vmem_shared>> -> memref<1x2x16xf32, #tpu.memory_space<vmem_shared>>
      %dma_start3A_246 = tpu.memref_squeeze %dma_start3A_245 : memref<1x2x16xf32, #tpu.memory_space<vmem_shared>> -> memref<2x16xf32, #tpu.memory_space<vmem_shared>>
      %dma_start3A_247 = arith.constant 0 : i32
      %dma_start3A_248 = arith.constant 0 : i32
      %dma_start3A_249 = tpu.memref_slice %arg6[%arg1, %dma_start3A_247, %dma_start3A_248] : memref<16x2x16xf32, #tpu.memory_space<vmem_shared>> -> memref<1x2x16xf32, #tpu.memory_space<vmem_shared>>
      %dma_start3A_250 = tpu.memref_squeeze %dma_start3A_249 : memref<1x2x16xf32, #tpu.memory_space<vmem_shared>> -> memref<2x16xf32, #tpu.memory_space<vmem_shared>>
      tpu.enqueue_dma source(%arg5 : memref<2x16xf32, #tpu.memory_space<vmem>>) target(%dma_start3A_250 : memref<2x16xf32, #tpu.memory_space<vmem_shared>>) target_semaphore(%run_scoped3A : memref<!tpu.dma_semaphore, #tpu.memory_space<semaphore_mem>>)
      %dma_wait3A = arith.constant 0 : i32
      %dma_wait3A_251 = arith.constant 0 : i32
      %dma_wait3A_252 = tpu.memref_slice %arg6[%arg1, %dma_wait3A, %dma_wait3A_251] : memref<16x2x16xf32, #tpu.memory_space<vmem_shared>> -> memref<1x2x16xf32, #tpu.memory_space<vmem_shared>>
      %dma_wait3A_253 = tpu.memref_squeeze %dma_wait3A_252 : memref<1x2x16xf32, #tpu.memory_space<vmem_shared>> -> memref<2x16xf32, #tpu.memory_space<vmem_shared>>
      %dma_wait3A_254 = arith.constant 0 : i32
      %dma_wait3A_255 = arith.constant 0 : i32
      %dma_wait3A_256 = tpu.memref_slice %arg6[%arg1, %dma_wait3A_254, %dma_wait3A_255] : memref<16x2x16xf32, #tpu.memory_space<vmem_shared>> -> memref<1x2x16xf32, #tpu.memory_space<vmem_shared>>
      %dma_wait3A_257 = tpu.memref_squeeze %dma_wait3A_256 : memref<1x2x16xf32, #tpu.memory_space<vmem_shared>> -> memref<2x16xf32, #tpu.memory_space<vmem_shared>>
      tpu.wait_dma2 semaphore(%run_scoped3A : memref<!tpu.dma_semaphore, #tpu.memory_space<semaphore_mem>>) src(%arg5 : memref<2x16xf32, #tpu.memory_space<vmem>>) dst(%dma_wait3A_257 : memref<2x16xf32, #tpu.memory_space<vmem_shared>>)
      tpu.yield
    }) : () -> ()
    %barrier3A = arith.constant 0 : index
    tpu.barrier barrier_id(%barrier3A)
    %eq3A = arith.constant 0 : i32
    %eq3A_242 = arith.cmpi eq, %arg1, %eq3A : i32
    %convert_element_type3A = arith.extui %eq3A_242 : i1 to i32
    %cond3A = arith.constant 0 : i32
    %cond3A_243 = arith.cmpi ne, %convert_element_type3A, %cond3A : i32
    scf.if %cond3A_243 {
      "tpu.region"() ({
        %run_scoped3A = tpu.sem_alloc : memref<!tpu.dma_semaphore, #tpu.memory_space<semaphore_mem>>
        tpu.enqueue_dma source(%arg6 : memref<16x2x16xf32, #tpu.memory_space<vmem_shared>>) target(%arg7 : memref<16x2x16xf32, #tpu.memory_space<vmem>>) target_semaphore(%run_scoped3A : memref<!tpu.dma_semaphore, #tpu.memory_space<semaphore_mem>>)
        tpu.wait_dma2 semaphore(%run_scoped3A : memref<!tpu.dma_semaphore, #tpu.memory_space<semaphore_mem>>) src(%arg6 : memref<16x2x16xf32, #tpu.memory_space<vmem_shared>>) dst(%arg7 : memref<16x2x16xf32, #tpu.memory_space<vmem>>)
        tpu.yield
      }) : () -> ()
      %get3A_244 = arith.constant 0 : i32
      %get3A_245 = arith.constant 0 : i32
      %get3A_246 = arith.index_cast %get3A_244 : i32 to index
      %get3A_247 = arith.index_cast %get3A_245 : i32 to index
      %get3A_248 = arith.constant 0 : index
      %get3A_249 = tpu.vector_load %arg7[%get3A_246, %get3A_247, %get3A_248] {strides = array<i32>} : memref<16x2x16xf32, #tpu.memory_space<vmem>>, vector<1x1x16xf32>,
      %get3A_250 = vector.shape_cast %get3A_249 : vector<1x1x16xf32> to vector<16xf32>
      %get3A_251 = arith.constant 0 : i32
      %get3A_252 = arith.constant 1 : i32
      %get3A_253 = arith.index_cast %get3A_251 : i32 to index
      %get3A_254 = arith.index_cast %get3A_252 : i32 to index
      %get3A_255 = arith.constant 0 : index
      %get3A_256 = tpu.vector_load %arg7[%get3A_253, %get3A_254, %get3A_255] {strides = array<i32>} : memref<16x2x16xf32, #tpu.memory_space<vmem>>, vector<1x1x16xf32>,
      %get3A_257 = vector.shape_cast %get3A_256 : vector<1x1x16xf32> to vector<16xf32>
      %get3A_258 = arith.constant 1 : i32
      %get3A_259 = arith.constant 0 : i32
      %get3A_260 = arith.index_cast %get3A_258 : i32 to index
      %get3A_261 = arith.index_cast %get3A_259 : i32 to index
      %get3A_262 = arith.constant 0 : index
      %get3A_263 = tpu.vector_load %arg7[%get3A_260, %get3A_261, %get3A_262] {strides = array<i32>} : memref<16x2x16xf32, #tpu.memory_space<vmem>>, vector<1x1x16xf32>,
      %get3A_264 = vector.shape_cast %get3A_263 : vector<1x1x16xf32> to vector<16xf32>
      %add3A_265 = arith.addf %get3A_250, %get3A_264 : vector<16xf32>
      %get3A_266 = arith.constant 1 : i32
      %get3A_267 = arith.constant 1 : i32
      %get3A_268 = arith.index_cast %get3A_266 : i32 to index
      %get3A_269 = arith.index_cast %get3A_267 : i32 to index
      %get3A_270 = arith.constant 0 : index
      %get3A_271 = tpu.vector_load %arg7[%get3A_268, %get3A_269, %get3A_270] {strides = array<i32>} : memref<16x2x16xf32, #tpu.memory_space<vmem>>, vector<1x1x16xf32>,
      %get3A_272 = vector.shape_cast %get3A_271 : vector<1x1x16xf32> to vector<16xf32>
      %add3A_273 = arith.addf %get3A_257, %get3A_272 : vector<16xf32>
      %get3A_274 = arith.constant 2 : i32
      %get3A_275 = arith.constant 0 : i32
      %get3A_276 = arith.index_cast %get3A_274 : i32 to index
      %get3A_277 = arith.index_cast %get3A_275 : i32 to index
      %get3A_278 = arith.constant 0 : index
      %get3A_279 = tpu.vector_load %arg7[%get3A_276, %get3A_277, %get3A_278] {strides = array<i32>} : memref<16x2x16xf32, #tpu.memory_space<vmem>>, vector<1x1x16xf32>,
      %get3A_280 = vector.shape_cast %get3A_279 : vector<1x1x16xf32> to vector<16xf32>
      %add3A_281 = arith.addf %add3A_265, %get3A_280 : vector<16xf32>
      %get3A_282 = arith.constant 2 : i32
      %get3A_283 = arith.constant 1 : i32
      %get3A_284 = arith.index_cast %get3A_282 : i32 to index
      %get3A_285 = arith.index_cast %get3A_283 : i32 to index
      %get3A_286 = arith.constant 0 : index
      %get3A_287 = tpu.vector_load %arg7[%get3A_284, %get3A_285, %get3A_286] {strides = array<i32>} : memref<16x2x16xf32, #tpu.memory_space<vmem>>, vector<1x1x16xf32>,
      %get3A_288 = vector.shape_cast %get3A_287 : vector<1x1x16xf32> to vector<16xf32>
      %add3A_289 = arith.addf %add3A_273, %get3A_288 : vector<16xf32>
      %get3A_290 = arith.constant 3 : i32
      %get3A_291 = arith.constant 0 : i32
      %get3A_292 = arith.index_cast %get3A_290 : i32 to index
      %get3A_293 = arith.index_cast %get3A_291 : i32 to index
      %get3A_294 = arith.constant 0 : index
      %get3A_295 = tpu.vector_load %arg7[%get3A_292, %get3A_293, %get3A_294] {strides = array<i32>} : memref<16x2x16xf32, #tpu.memory_space<vmem>>, vector<1x1x16xf32>,
      %get3A_296 = vector.shape_cast %get3A_295 : vector<1x1x16xf32> to vector<16xf32>
      %add3A_297 = arith.addf %add3A_281, %get3A_296 : vector<16xf32>
      %get3A_298 = arith.constant 3 : i32
      %get3A_299 = arith.constant 1 : i32
      %get3A_300 = arith.index_cast %get3A_298 : i32 to index
      %get3A_301 = arith.index_cast %get3A_299 : i32 to index
      %get3A_302 = arith.constant 0 : index
      %get3A_303 = tpu.vector_load %arg7[%get3A_300, %get3A_301, %get3A_302] {strides = array<i32>} : memref<16x2x16xf32, #tpu.memory_space<vmem>>, vector<1x1x16xf32>,
      %get3A_304 = vector.shape_cast %get3A_303 : vector<1x1x16xf32> to vector<16xf32>
      %add3A_305 = arith.addf %add3A_289, %get3A_304 : vector<16xf32>
      %get3A_306 = arith.constant 4 : i32
      %get3A_307 = arith.constant 0 : i32
      %get3A_308 = arith.index_cast %get3A_306 : i32 to index
      %get3A_309 = arith.index_cast %get3A_307 : i32 to index
      %get3A_310 = arith.constant 0 : index
      %get3A_311 = tpu.vector_load %arg7[%get3A_308, %get3A_309, %get3A_310] {strides = array<i32>} : memref<16x2x16xf32, #tpu.memory_space<vmem>>, vector<1x1x16xf32>,
      %get3A_312 = vector.shape_cast %get3A_311 : vector<1x1x16xf32> to vector<16xf32>
      %add3A_313 = arith.addf %add3A_297, %get3A_312 : vector<16xf32>
      %get3A_314 = arith.constant 4 : i32
      %get3A_315 = arith.constant 1 : i32
      %get3A_316 = arith.index_cast %get3A_314 : i32 to index
      %get3A_317 = arith.index_cast %get3A_315 : i32 to index
      %get3A_318 = arith.constant 0 : index
      %get3A_319 = tpu.vector_load %arg7[%get3A_316, %get3A_317, %get3A_318] {strides = array<i32>} : memref<16x2x16xf32, #tpu.memory_space<vmem>>, vector<1x1x16xf32>,
      %get3A_320 = vector.shape_cast %get3A_319 : vector<1x1x16xf32> to vector<16xf32>
      %add3A_321 = arith.addf %add3A_305, %get3A_320 : vector<16xf32>
      %get3A_322 = arith.constant 5 : i32
      %get3A_323 = arith.constant 0 : i32
      %get3A_324 = arith.index_cast %get3A_322 : i32 to index
      %get3A_325 = arith.index_cast %get3A_323 : i32 to index
      %get3A_326 = arith.constant 0 : index
      %get3A_327 = tpu.vector_load %arg7[%get3A_324, %get3A_325, %get3A_326] {strides = array<i32>} : memref<16x2x16xf32, #tpu.memory_space<vmem>>, vector<1x1x16xf32>,
      %get3A_328 = vector.shape_cast %get3A_327 : vector<1x1x16xf32> to vector<16xf32>
      %add3A_329 = arith.addf %add3A_313, %get3A_328 : vector<16xf32>
      %get3A_330 = arith.constant 5 : i32
      %get3A_331 = arith.constant 1 : i32
      %get3A_332 = arith.index_cast %get3A_330 : i32 to index
      %get3A_333 = arith.index_cast %get3A_331 : i32 to index
      %get3A_334 = arith.constant 0 : index
      %get3A_335 = tpu.vector_load %arg7[%get3A_332, %get3A_333, %get3A_334] {strides = array<i32>} : memref<16x2x16xf32, #tpu.memory_space<vmem>>, vector<1x1x16xf32>,
      %get3A_336 = vector.shape_cast %get3A_335 : vector<1x1x16xf32> to vector<16xf32>
      %add3A_337 = arith.addf %add3A_321, %get3A_336 : vector<16xf32>
      %get3A_338 = arith.constant 6 : i32
      %get3A_339 = arith.constant 0 : i32
      %get3A_340 = arith.index_cast %get3A_338 : i32 to index
      %get3A_341 = arith.index_cast %get3A_339 : i32 to index
      %get3A_342 = arith.constant 0 : index
      %get3A_343 = tpu.vector_load %arg7[%get3A_340, %get3A_341, %get3A_342] {strides = array<i32>} : memref<16x2x16xf32, #tpu.memory_space<vmem>>, vector<1x1x16xf32>,
      %get3A_344 = vector.shape_cast %get3A_343 : vector<1x1x16xf32> to vector<16xf32>
      %add3A_345 = arith.addf %add3A_329, %get3A_344 : vector<16xf32>
      %get3A_346 = arith.constant 6 : i32
      %get3A_347 = arith.constant 1 : i32
      %get3A_348 = arith.index_cast %get3A_346 : i32 to index
      %get3A_349 = arith.index_cast %get3A_347 : i32 to index
      %get3A_350 = arith.constant 0 : index
      %get3A_351 = tpu.vector_load %arg7[%get3A_348, %get3A_349, %get3A_350] {strides = array<i32>} : memref<16x2x16xf32, #tpu.memory_space<vmem>>, vector<1x1x16xf32>,
      %get3A_352 = vector.shape_cast %get3A_351 : vector<1x1x16xf32> to vector<16xf32>
      %add3A_353 = arith.addf %add3A_337, %get3A_352 : vector<16xf32>
      %get3A_354 = arith.constant 7 : i32
      %get3A_355 = arith.constant 0 : i32
      %get3A_356 = arith.index_cast %get3A_354 : i32 to index
      %get3A_357 = arith.index_cast %get3A_355 : i32 to index
      %get3A_358 = arith.constant 0 : index
      %get3A_359 = tpu.vector_load %arg7[%get3A_356, %get3A_357, %get3A_358] {strides = array<i32>} : memref<16x2x16xf32, #tpu.memory_space<vmem>>, vector<1x1x16xf32>,
      %get3A_360 = vector.shape_cast %get3A_359 : vector<1x1x16xf32> to vector<16xf32>
      %add3A_361 = arith.addf %add3A_345, %get3A_360 : vector<16xf32>
      %get3A_362 = arith.constant 7 : i32
      %get3A_363 = arith.constant 1 : i32
      %get3A_364 = arith.index_cast %get3A_362 : i32 to index
      %get3A_365 = arith.index_cast %get3A_363 : i32 to index
      %get3A_366 = arith.constant 0 : index
      %get3A_367 = tpu.vector_load %arg7[%get3A_364, %get3A_365, %get3A_366] {strides = array<i32>} : memref<16x2x16xf32, #tpu.memory_space<vmem>>, vector<1x1x16xf32>,
      %get3A_368 = vector.shape_cast %get3A_367 : vector<1x1x16xf32> to vector<16xf32>
      %add3A_369 = arith.addf %add3A_353, %get3A_368 : vector<16xf32>
      %get3A_370 = arith.constant 8 : i32
      %get3A_371 = arith.constant 0 : i32
      %get3A_372 = arith.index_cast %get3A_370 : i32 to index
      %get3A_373 = arith.index_cast %get3A_371 : i32 to index
      %get3A_374 = arith.constant 0 : index
      %get3A_375 = tpu.vector_load %arg7[%get3A_372, %get3A_373, %get3A_374] {strides = array<i32>} : memref<16x2x16xf32, #tpu.memory_space<vmem>>, vector<1x1x16xf32>,
      %get3A_376 = vector.shape_cast %get3A_375 : vector<1x1x16xf32> to vector<16xf32>
      %add3A_377 = arith.addf %add3A_361, %get3A_376 : vector<16xf32>
      %get3A_378 = arith.constant 8 : i32
      %get3A_379 = arith.constant 1 : i32
      %get3A_380 = arith.index_cast %get3A_378 : i32 to index
      %get3A_381 = arith.index_cast %get3A_379 : i32 to index
      %get3A_382 = arith.constant 0 : index
      %get3A_383 = tpu.vector_load %arg7[%get3A_380, %get3A_381, %get3A_382] {strides = array<i32>} : memref<16x2x16xf32, #tpu.memory_space<vmem>>, vector<1x1x16xf32>,
      %get3A_384 = vector.shape_cast %get3A_383 : vector<1x1x16xf32> to vector<16xf32>
      %add3A_385 = arith.addf %add3A_369, %get3A_384 : vector<16xf32>
      %get3A_386 = arith.constant 9 : i32
      %get3A_387 = arith.constant 0 : i32
      %get3A_388 = arith.index_cast %get3A_386 : i32 to index
      %get3A_389 = arith.index_cast %get3A_387 : i32 to index
      %get3A_390 = arith.constant 0 : index
      %get3A_391 = tpu.vector_load %arg7[%get3A_388, %get3A_389, %get3A_390] {strides = array<i32>} : memref<16x2x16xf32, #tpu.memory_space<vmem>>, vector<1x1x16xf32>,
      %get3A_392 = vector.shape_cast %get3A_391 : vector<1x1x16xf32> to vector<16xf32>
      %add3A_393 = arith.addf %add3A_377, %get3A_392 : vector<16xf32>
      %get3A_394 = arith.constant 9 : i32
      %get3A_395 = arith.constant 1 : i32
      %get3A_396 = arith.index_cast %get3A_394 : i32 to index
      %get3A_397 = arith.index_cast %get3A_395 : i32 to index
      %get3A_398 = arith.constant 0 : index
      %get3A_399 = tpu.vector_load %arg7[%get3A_396, %get3A_397, %get3A_398] {strides = array<i32>} : memref<16x2x16xf32, #tpu.memory_space<vmem>>, vector<1x1x16xf32>,
      %get3A_400 = vector.shape_cast %get3A_399 : vector<1x1x16xf32> to vector<16xf32>
      %add3A_401 = arith.addf %add3A_385, %get3A_400 : vector<16xf32>
      %get3A_402 = arith.constant 10 : i32
      %get3A_403 = arith.constant 0 : i32
      %get3A_404 = arith.index_cast %get3A_402 : i32 to index
      %get3A_405 = arith.index_cast %get3A_403 : i32 to index
      %get3A_406 = arith.constant 0 : index
      %get3A_407 = tpu.vector_load %arg7[%get3A_404, %get3A_405, %get3A_406] {strides = array<i32>} : memref<16x2x16xf32, #tpu.memory_space<vmem>>, vector<1x1x16xf32>,
      %get3A_408 = vector.shape_cast %get3A_407 : vector<1x1x16xf32> to vector<16xf32>
      %add3A_409 = arith.addf %add3A_393, %get3A_408 : vector<16xf32>
      %get3A_410 = arith.constant 10 : i32
      %get3A_411 = arith.constant 1 : i32
      %get3A_412 = arith.index_cast %get3A_410 : i32 to index
      %get3A_413 = arith.index_cast %get3A_411 : i32 to index
      %get3A_414 = arith.constant 0 : index
      %get3A_415 = tpu.vector_load %arg7[%get3A_412, %get3A_413, %get3A_414] {strides = array<i32>} : memref<16x2x16xf32, #tpu.memory_space<vmem>>, vector<1x1x16xf32>,
      %get3A_416 = vector.shape_cast %get3A_415 : vector<1x1x16xf32> to vector<16xf32>
      %add3A_417 = arith.addf %add3A_401, %get3A_416 : vector<16xf32>
      %get3A_418 = arith.constant 11 : i32
      %get3A_419 = arith.constant 0 : i32
      %get3A_420 = arith.index_cast %get3A_418 : i32 to index
      %get3A_421 = arith.index_cast %get3A_419 : i32 to index
      %get3A_422 = arith.constant 0 : index
      %get3A_423 = tpu.vector_load %arg7[%get3A_420, %get3A_421, %get3A_422] {strides = array<i32>} : memref<16x2x16xf32, #tpu.memory_space<vmem>>, vector<1x1x16xf32>,
      %get3A_424 = vector.shape_cast %get3A_423 : vector<1x1x16xf32> to vector<16xf32>
      %add3A_425 = arith.addf %add3A_409, %get3A_424 : vector<16xf32>
      %get3A_426 = arith.constant 11 : i32
      %get3A_427 = arith.constant 1 : i32
      %get3A_428 = arith.index_cast %get3A_426 : i32 to index
      %get3A_429 = arith.index_cast %get3A_427 : i32 to index
      %get3A_430 = arith.constant 0 : index
      %get3A_431 = tpu.vector_load %arg7[%get3A_428, %get3A_429, %get3A_430] {strides = array<i32>} : memref<16x2x16xf32, #tpu.memory_space<vmem>>, vector<1x1x16xf32>,
      %get3A_432 = vector.shape_cast %get3A_431 : vector<1x1x16xf32> to vector<16xf32>
      %add3A_433 = arith.addf %add3A_417, %get3A_432 : vector<16xf32>
      %get3A_434 = arith.constant 12 : i32
      %get3A_435 = arith.constant 0 : i32
      %get3A_436 = arith.index_cast %get3A_434 : i32 to index
      %get3A_437 = arith.index_cast %get3A_435 : i32 to index
      %get3A_438 = arith.constant 0 : index
      %get3A_439 = tpu.vector_load %arg7[%get3A_436, %get3A_437, %get3A_438] {strides = array<i32>} : memref<16x2x16xf32, #tpu.memory_space<vmem>>, vector<1x1x16xf32>,
      %get3A_440 = vector.shape_cast %get3A_439 : vector<1x1x16xf32> to vector<16xf32>
      %add3A_441 = arith.addf %add3A_425, %get3A_440 : vector<16xf32>
      %get3A_442 = arith.constant 12 : i32
      %get3A_443 = arith.constant 1 : i32
      %get3A_444 = arith.index_cast %get3A_442 : i32 to index
      %get3A_445 = arith.index_cast %get3A_443 : i32 to index
      %get3A_446 = arith.constant 0 : index
      %get3A_447 = tpu.vector_load %arg7[%get3A_444, %get3A_445, %get3A_446] {strides = array<i32>} : memref<16x2x16xf32, #tpu.memory_space<vmem>>, vector<1x1x16xf32>,
      %get3A_448 = vector.shape_cast %get3A_447 : vector<1x1x16xf32> to vector<16xf32>
      %add3A_449 = arith.addf %add3A_433, %get3A_448 : vector<16xf32>
      %get3A_450 = arith.constant 13 : i32
      %get3A_451 = arith.constant 0 : i32
      %get3A_452 = arith.index_cast %get3A_450 : i32 to index
      %get3A_453 = arith.index_cast %get3A_451 : i32 to index
      %get3A_454 = arith.constant 0 : index
      %get3A_455 = tpu.vector_load %arg7[%get3A_452, %get3A_453, %get3A_454] {strides = array<i32>} : memref<16x2x16xf32, #tpu.memory_space<vmem>>, vector<1x1x16xf32>,
      %get3A_456 = vector.shape_cast %get3A_455 : vector<1x1x16xf32> to vector<16xf32>
      %add3A_457 = arith.addf %add3A_441, %get3A_456 : vector<16xf32>
      %get3A_458 = arith.constant 13 : i32
      %get3A_459 = arith.constant 1 : i32
      %get3A_460 = arith.index_cast %get3A_458 : i32 to index
      %get3A_461 = arith.index_cast %get3A_459 : i32 to index
      %get3A_462 = arith.constant 0 : index
      %get3A_463 = tpu.vector_load %arg7[%get3A_460, %get3A_461, %get3A_462] {strides = array<i32>} : memref<16x2x16xf32, #tpu.memory_space<vmem>>, vector<1x1x16xf32>,
      %get3A_464 = vector.shape_cast %get3A_463 : vector<1x1x16xf32> to vector<16xf32>
      %add3A_465 = arith.addf %add3A_449, %get3A_464 : vector<16xf32>
      %get3A_466 = arith.constant 14 : i32
      %get3A_467 = arith.constant 0 : i32
      %get3A_468 = arith.index_cast %get3A_466 : i32 to index
      %get3A_469 = arith.index_cast %get3A_467 : i32 to index
      %get3A_470 = arith.constant 0 : index
      %get3A_471 = tpu.vector_load %arg7[%get3A_468, %get3A_469, %get3A_470] {strides = array<i32>} : memref<16x2x16xf32, #tpu.memory_space<vmem>>, vector<1x1x16xf32>,
      %get3A_472 = vector.shape_cast %get3A_471 : vector<1x1x16xf32> to vector<16xf32>
      %add3A_473 = arith.addf %add3A_457, %get3A_472 : vector<16xf32>
      %get3A_474 = arith.constant 14 : i32
      %get3A_475 = arith.constant 1 : i32
      %get3A_476 = arith.index_cast %get3A_474 : i32 to index
      %get3A_477 = arith.index_cast %get3A_475 : i32 to index
      %get3A_478 = arith.constant 0 : index
      %get3A_479 = tpu.vector_load %arg7[%get3A_476, %get3A_477, %get3A_478] {strides = array<i32>} : memref<16x2x16xf32, #tpu.memory_space<vmem>>, vector<1x1x16xf32>,
      %get3A_480 = vector.shape_cast %get3A_479 : vector<1x1x16xf32> to vector<16xf32>
      %add3A_481 = arith.addf %add3A_465, %get3A_480 : vector<16xf32>
      %get3A_482 = arith.constant 15 : i32
      %get3A_483 = arith.constant 0 : i32
      %get3A_484 = arith.index_cast %get3A_482 : i32 to index
      %get3A_485 = arith.index_cast %get3A_483 : i32 to index
      %get3A_486 = arith.constant 0 : index
      %get3A_487 = tpu.vector_load %arg7[%get3A_484, %get3A_485, %get3A_486] {strides = array<i32>} : memref<16x2x16xf32, #tpu.memory_space<vmem>>, vector<1x1x16xf32>,
      %get3A_488 = vector.shape_cast %get3A_487 : vector<1x1x16xf32> to vector<16xf32>
      %add3A_489 = arith.addf %add3A_473, %get3A_488 : vector<16xf32>
      %get3A_490 = arith.constant 15 : i32
      %get3A_491 = arith.constant 1 : i32
      %get3A_492 = arith.index_cast %get3A_490 : i32 to index
      %get3A_493 = arith.index_cast %get3A_491 : i32 to index
      %get3A_494 = arith.constant 0 : index
      %get3A_495 = tpu.vector_load %arg7[%get3A_492, %get3A_493, %get3A_494] {strides = array<i32>} : memref<16x2x16xf32, #tpu.memory_space<vmem>>, vector<1x1x16xf32>,
      %get3A_496 = vector.shape_cast %get3A_495 : vector<1x1x16xf32> to vector<16xf32>
      %add3A_497 = arith.addf %add3A_481, %get3A_496 : vector<16xf32>
      %iota3A = tpu.iota {dimensions = array<i32: 0>} : vector<16xi32>
      %xor3A = arith.constant 1 : i32
      %xor3A_498 = vector.broadcast %xor3A : i32 to vector<16xi32>
      %xor3A_499 = arith.xori %iota3A, %xor3A_498 : vector<16xi32>
      %lt3A = arith.constant 0 : i32
      %lt3A_500 = vector.broadcast %lt3A : i32 to vector<16xi32>
      %lt3A_501 = arith.cmpi slt, %xor3A_499, %lt3A_500 : vector<16xi32>
      %add3A_502 = arith.constant 16 : i32
      %add3A_503 = vector.broadcast %add3A_502 : i32 to vector<16xi32>
      %add3A_504 = arith.addi %xor3A_499, %add3A_503 : vector<16xi32>
      %select_n3A = arith.select %lt3A_501, %add3A_504, %xor3A_499 : vector<16xi1>, vector<16xi32>
      %broadcast_in_dim3A_505 = vector.shape_cast %select_n3A : vector<16xi32> to vector<16x1xi32>
      %gather3A = vector.shape_cast %broadcast_in_dim3A_505 : vector<16x1xi32> to vector<16xi32>
      %gather3A_506 = tpu.dynamic_gather %add3A_489[%gather3A] in [0] : vector<16xf32>, vector<16xi32> -> vector<16xf32>
      %add3A_507 = arith.addf %add3A_489, %gather3A_506 : vector<16xf32>
      %iota3A_508 = tpu.iota {dimensions = array<i32: 0>} : vector<16xi32>
      %xor3A_509 = arith.constant 2 : i32
      %xor3A_510 = vector.broadcast %xor3A_509 : i32 to vector<16xi32>
      %xor3A_511 = arith.xori %iota3A_508, %xor3A_510 : vector<16xi32>
      %lt3A_512 = arith.constant 0 : i32
      %lt3A_513 = vector.broadcast %lt3A_512 : i32 to vector<16xi32>
      %lt3A_514 = arith.cmpi slt, %xor3A_511, %lt3A_513 : vector<16xi32>
      %add3A_515 = arith.constant 16 : i32
      %add3A_516 = vector.broadcast %add3A_515 : i32 to vector<16xi32>
      %add3A_517 = arith.addi %xor3A_511, %add3A_516 : vector<16xi32>
      %select_n3A_518 = arith.select %lt3A_514, %add3A_517, %xor3A_511 : vector<16xi1>, vector<16xi32>
      %broadcast_in_dim3A_519 = vector.shape_cast %select_n3A_518 : vector<16xi32> to vector<16x1xi32>
      %gather3A_520 = vector.shape_cast %broadcast_in_dim3A_519 : vector<16x1xi32> to vector<16xi32>
      %gather3A_521 = tpu.dynamic_gather %add3A_507[%gather3A_520] in [0] : vector<16xf32>, vector<16xi32> -> vector<16xf32>
      %add3A_522 = arith.addf %add3A_507, %gather3A_521 : vector<16xf32>
      %iota3A_523 = tpu.iota {dimensions = array<i32: 0>} : vector<16xi32>
      %xor3A_524 = arith.constant 4 : i32
      %xor3A_525 = vector.broadcast %xor3A_524 : i32 to vector<16xi32>
      %xor3A_526 = arith.xori %iota3A_523, %xor3A_525 : vector<16xi32>
      %lt3A_527 = arith.constant 0 : i32
      %lt3A_528 = vector.broadcast %lt3A_527 : i32 to vector<16xi32>
      %lt3A_529 = arith.cmpi slt, %xor3A_526, %lt3A_528 : vector<16xi32>
      %add3A_530 = arith.constant 16 : i32
      %add3A_531 = vector.broadcast %add3A_530 : i32 to vector<16xi32>
      %add3A_532 = arith.addi %xor3A_526, %add3A_531 : vector<16xi32>
      %select_n3A_533 = arith.select %lt3A_529, %add3A_532, %xor3A_526 : vector<16xi1>, vector<16xi32>
      %broadcast_in_dim3A_534 = vector.shape_cast %select_n3A_533 : vector<16xi32> to vector<16x1xi32>
      %gather3A_535 = vector.shape_cast %broadcast_in_dim3A_534 : vector<16x1xi32> to vector<16xi32>
      %gather3A_536 = tpu.dynamic_gather %add3A_522[%gather3A_535] in [0] : vector<16xf32>, vector<16xi32> -> vector<16xf32>
      %add3A_537 = arith.addf %add3A_522, %gather3A_536 : vector<16xf32>
      %iota3A_538 = tpu.iota {dimensions = array<i32: 0>} : vector<16xi32>
      %xor3A_539 = arith.constant 8 : i32
      %xor3A_540 = vector.broadcast %xor3A_539 : i32 to vector<16xi32>
      %xor3A_541 = arith.xori %iota3A_538, %xor3A_540 : vector<16xi32>
      %lt3A_542 = arith.constant 0 : i32
      %lt3A_543 = vector.broadcast %lt3A_542 : i32 to vector<16xi32>
      %lt3A_544 = arith.cmpi slt, %xor3A_541, %lt3A_543 : vector<16xi32>
      %add3A_545 = arith.constant 16 : i32
      %add3A_546 = vector.broadcast %add3A_545 : i32 to vector<16xi32>
      %add3A_547 = arith.addi %xor3A_541, %add3A_546 : vector<16xi32>
      %select_n3A_548 = arith.select %lt3A_544, %add3A_547, %xor3A_541 : vector<16xi1>, vector<16xi32>
      %broadcast_in_dim3A_549 = vector.shape_cast %select_n3A_548 : vector<16xi32> to vector<16x1xi32>
      %gather3A_550 = vector.shape_cast %broadcast_in_dim3A_549 : vector<16x1xi32> to vector<16xi32>
      %gather3A_551 = tpu.dynamic_gather %add3A_537[%gather3A_550] in [0] : vector<16xf32>, vector<16xi32> -> vector<16xf32>
      %add3A_552 = arith.addf %add3A_537, %gather3A_551 : vector<16xf32>
      %iota3A_553 = tpu.iota {dimensions = array<i32: 0>} : vector<16xi32>
      %xor3A_554 = arith.constant 1 : i32
      %xor3A_555 = vector.broadcast %xor3A_554 : i32 to vector<16xi32>
      %xor3A_556 = arith.xori %iota3A_553, %xor3A_555 : vector<16xi32>
      %lt3A_557 = arith.constant 0 : i32
      %lt3A_558 = vector.broadcast %lt3A_557 : i32 to vector<16xi32>
      %lt3A_559 = arith.cmpi slt, %xor3A_556, %lt3A_558 : vector<16xi32>
      %add3A_560 = arith.constant 16 : i32
      %add3A_561 = vector.broadcast %add3A_560 : i32 to vector<16xi32>
      %add3A_562 = arith.addi %xor3A_556, %add3A_561 : vector<16xi32>
      %select_n3A_563 = arith.select %lt3A_559, %add3A_562, %xor3A_556 : vector<16xi1>, vector<16xi32>
      %broadcast_in_dim3A_564 = vector.shape_cast %select_n3A_563 : vector<16xi32> to vector<16x1xi32>
      %gather3A_565 = vector.shape_cast %broadcast_in_dim3A_564 : vector<16x1xi32> to vector<16xi32>
      %gather3A_566 = tpu.dynamic_gather %add3A_497[%gather3A_565] in [0] : vector<16xf32>, vector<16xi32> -> vector<16xf32>
      %add3A_567 = arith.addf %add3A_497, %gather3A_566 : vector<16xf32>
      %iota3A_568 = tpu.iota {dimensions = array<i32: 0>} : vector<16xi32>
      %xor3A_569 = arith.constant 2 : i32
      %xor3A_570 = vector.broadcast %xor3A_569 : i32 to vector<16xi32>
      %xor3A_571 = arith.xori %iota3A_568, %xor3A_570 : vector<16xi32>
      %lt3A_572 = arith.constant 0 : i32
      %lt3A_573 = vector.broadcast %lt3A_572 : i32 to vector<16xi32>
      %lt3A_574 = arith.cmpi slt, %xor3A_571, %lt3A_573 : vector<16xi32>
      %add3A_575 = arith.constant 16 : i32
      %add3A_576 = vector.broadcast %add3A_575 : i32 to vector<16xi32>
      %add3A_577 = arith.addi %xor3A_571, %add3A_576 : vector<16xi32>
      %select_n3A_578 = arith.select %lt3A_574, %add3A_577, %xor3A_571 : vector<16xi1>, vector<16xi32>
      %broadcast_in_dim3A_579 = vector.shape_cast %select_n3A_578 : vector<16xi32> to vector<16x1xi32>
      %gather3A_580 = vector.shape_cast %broadcast_in_dim3A_579 : vector<16x1xi32> to vector<16xi32>
      %gather3A_581 = tpu.dynamic_gather %add3A_567[%gather3A_580] in [0] : vector<16xf32>, vector<16xi32> -> vector<16xf32>
      %add3A_582 = arith.addf %add3A_567, %gather3A_581 : vector<16xf32>
      %iota3A_583 = tpu.iota {dimensions = array<i32: 0>} : vector<16xi32>
      %xor3A_584 = arith.constant 4 : i32
      %xor3A_585 = vector.broadcast %xor3A_584 : i32 to vector<16xi32>
      %xor3A_586 = arith.xori %iota3A_583, %xor3A_585 : vector<16xi32>
      %lt3A_587 = arith.constant 0 : i32
      %lt3A_588 = vector.broadcast %lt3A_587 : i32 to vector<16xi32>
      %lt3A_589 = arith.cmpi slt, %xor3A_586, %lt3A_588 : vector<16xi32>
      %add3A_590 = arith.constant 16 : i32
      %add3A_591 = vector.broadcast %add3A_590 : i32 to vector<16xi32>
      %add3A_592 = arith.addi %xor3A_586, %add3A_591 : vector<16xi32>
      %select_n3A_593 = arith.select %lt3A_589, %add3A_592, %xor3A_586 : vector<16xi1>, vector<16xi32>
      %broadcast_in_dim3A_594 = vector.shape_cast %select_n3A_593 : vector<16xi32> to vector<16x1xi32>
      %gather3A_595 = vector.shape_cast %broadcast_in_dim3A_594 : vector<16x1xi32> to vector<16xi32>
      %gather3A_596 = tpu.dynamic_gather %add3A_582[%gather3A_595] in [0] : vector<16xf32>, vector<16xi32> -> vector<16xf32>
      %add3A_597 = arith.addf %add3A_582, %gather3A_596 : vector<16xf32>
      %iota3A_598 = tpu.iota {dimensions = array<i32: 0>} : vector<16xi32>
      %xor3A_599 = arith.constant 8 : i32
      %xor3A_600 = vector.broadcast %xor3A_599 : i32 to vector<16xi32>
      %xor3A_601 = arith.xori %iota3A_598, %xor3A_600 : vector<16xi32>
      %lt3A_602 = arith.constant 0 : i32
      %lt3A_603 = vector.broadcast %lt3A_602 : i32 to vector<16xi32>
      %lt3A_604 = arith.cmpi slt, %xor3A_601, %lt3A_603 : vector<16xi32>
      %add3A_605 = arith.constant 16 : i32
      %add3A_606 = vector.broadcast %add3A_605 : i32 to vector<16xi32>
      %add3A_607 = arith.addi %xor3A_601, %add3A_606 : vector<16xi32>
      %select_n3A_608 = arith.select %lt3A_604, %add3A_607, %xor3A_601 : vector<16xi1>, vector<16xi32>
      %broadcast_in_dim3A_609 = vector.shape_cast %select_n3A_608 : vector<16xi32> to vector<16x1xi32>
      %gather3A_610 = vector.shape_cast %broadcast_in_dim3A_609 : vector<16x1xi32> to vector<16xi32>
      %gather3A_611 = tpu.dynamic_gather %add3A_597[%gather3A_610] in [0] : vector<16xf32>, vector<16xi32> -> vector<16xf32>
      %add3A_612 = arith.addf %add3A_597, %gather3A_611 : vector<16xf32>
      %div3A = arith.divf %add3A_612, %add3A_552 : vector<16xf32>
      %add3A_613 = arith.constant 2.70327401 : f32
      %add3A_614 = vector.broadcast %add3A_613 : f32 to vector<16xf32>
      %add3A_615 = arith.addf %div3A, %add3A_614 : vector<16xf32>
      %exp3A_616 = math.exp %add3A_615 : vector<16xf32>
      %lt3A_617 = arith.cmpf olt, %add3A_552, %exp3A_616 : vector<16xf32>
      %mul3A_618 = arith.constant 14.9285278 : f32
      %mul3A_619 = vector.broadcast %mul3A_618 : f32 to vector<16xf32>
      %mul3A_620 = arith.mulf %exp3A_616, %mul3A_619 : vector<16xf32>
      %lt3A_621 = arith.cmpf olt, %add3A_552, %mul3A_620 : vector<16xf32>
      %mul3A_622 = arith.constant 36.7583466 : f32
      %mul3A_623 = vector.broadcast %mul3A_622 : f32 to vector<16xf32>
      %mul3A_624 = arith.mulf %exp3A_616, %mul3A_623 : vector<16xf32>
      %lt3A_625 = arith.cmpf olt, %add3A_552, %mul3A_624 : vector<16xf32>
      %broadcast_in_dim3A_626 = arith.constant 2 : i32
      %broadcast_in_dim3A_627 = vector.broadcast %broadcast_in_dim3A_626 : i32 to vector<16xi32>
      %broadcast_in_dim3A_628 = arith.constant 4 : i32
      %broadcast_in_dim3A_629 = vector.broadcast %broadcast_in_dim3A_628 : i32 to vector<16xi32>
      %broadcast_in_dim3A_630 = arith.constant 8 : i32
      %broadcast_in_dim3A_631 = vector.broadcast %broadcast_in_dim3A_630 : i32 to vector<16xi32>
      %broadcast_in_dim3A_632 = arith.constant 32 : i32
      %broadcast_in_dim3A_633 = vector.broadcast %broadcast_in_dim3A_632 : i32 to vector<16xi32>
      %select_n3A_634 = arith.select %lt3A_625, %broadcast_in_dim3A_631, %broadcast_in_dim3A_633 : vector<16xi1>, vector<16xi32>
      %select_n3A_635 = arith.select %lt3A_621, %broadcast_in_dim3A_629, %select_n3A_634 : vector<16xi1>, vector<16xi32>
      %select_n3A_636 = arith.select %lt3A_617, %broadcast_in_dim3A_627, %select_n3A_635 : vector<16xi1>, vector<16xi32>
      %swap3A_637 = arith.constant 0 : index
      %swap3A_638 = tpu.vector_load %arg8[%swap3A_637] {strides = array<i32>} : memref<16xi32, #tpu.memory_space<vmem>>, vector<16xi32>,
      %swap3A_639 = vector.shape_cast %swap3A_638 : vector<16xi32> to vector<16xi32>
      %swap3A_640 = vector.shape_cast %select_n3A_636 : vector<16xi32> to vector<16xi32>
      tpu.vector_store %arg8[%swap3A_637], %swap3A_640 {strides = array<i32>} : memref<16xi32, #tpu.memory_space<vmem>>, vector<16xi32>,
      "tpu.region"() ({
        %run_scoped3A = tpu.sem_alloc : memref<!tpu.dma_semaphore, #tpu.memory_space<semaphore_mem>>
        tpu.enqueue_dma source(%arg8 : memref<16xi32, #tpu.memory_space<vmem>>) target(%arg3 : memref<16xi32, #tpu.memory_space<hbm>>) target_semaphore(%run_scoped3A : memref<!tpu.dma_semaphore, #tpu.memory_space<semaphore_mem>>)
        tpu.wait_dma2 semaphore(%run_scoped3A : memref<!tpu.dma_semaphore, #tpu.memory_space<semaphore_mem>>) src(%arg8 : memref<16xi32, #tpu.memory_space<vmem>>) dst(%arg3 : memref<16xi32, #tpu.memory_space<hbm>>)
        tpu.yield
      }) : () -> ()
    } else {
    }
    return
  }
}

</mosaic_0001>

<sc_bundles>
// kernel: kernel.3.cloned.1.call-start
scs
__scs_entry_jumppad:
0x0: {  	(pc) =	sbr.rel $0x88, $3  }
0x1: {  	(tag) =	ssettag $0x0;
	lr =	simm.s32 $0x1  }
0x2: {  	[smem:$0x3FA0] =	sst lr;
	_ =	strace $0xD0000000  }
0x3: {  	_ = 	snop  }
0x4: {  	_ = 	snop  }
0x5: {  	_ = 	snop  }
0x6: {  	_ = 	snop  }
0x7: {  	_ = 	snop  }
__scs_overlays_trampoline_lowered:
0x8: {  	[smem:$0x3FAF] =	sst s0  }
0x9: {  	[smem:$0x3FB0] =	sst s1  }
0xa: {  	[smem:$0x3FB1] =	sst s2  }
0xb: {  	[smem:$0x3FB2] =	sst s3  }
0xc: {  	[smem:$0x3FB3] =	sst s4  }
0xd: {  	[smem:$0x3FB4] =	sst s5  }
0xe: {  	[smem:$0x3FB5] =	sst s6  }
0xf: {  	[smem:$0x3FB6] =	sst s7  }
0x10: {  	[smem:$0x3FB7] =	sst s8  }
0x11: {  	[smem:$0x3FB8] =	sst s9;
	s0 =	simm.s32 @!p0 $0x0  }
0x12: {  	s1 =	sld [smem:$0x3F9E];
	s0 =	simm.s32 @p0 $0x1  }
0x13: {  	[smem:$0x3FB9] =	sst s0;
	s0 =	simm.s32 @!p1 $0x0  }
0x14: {  	s2 =	sld [smem:$0x3F9D];
	s0 =	simm.s32 @p1 $0x1  }
0x15: {  	[smem:$0x3FBA] =	sst s0;
	s0 =	simm.s32 @!p2 $0x0  }
0x16: {  	s3 =	sld [smem:$0x3FDB];
	s0 =	simm.s32 @p2 $0x1  }
0x17: {  	s4 =	simm.s32 $0x1BF5;
	[smem:$0x3FBC] =	sst s0  }
0x18: {  	s0 =	sld [smem:$0x3F9F];
	_ =	swait.ge [sflag:s4], $0x0  }
0x19: {  	s7 =	sld [smem:$0x3FA0]  }
0x1a: {  	s8 =	sadd.s32 $0xFFFFE003, lr  }
0x1b: {  	s9 =	sadd.s32 $0xFFFFFEF7, lr;
	s5 =	simm.s32 $0xFFFFFFFF;
	p2 =	slt.u32 s8, $0xFFFFF086  }
0x1c: {  	p1 =	slt.u32 s9, $0xF7A;
	s5 =	simm.s32 @!p2 $0x0  }
0x1d: {  	s5 =	simm.s32 @p1 $0x1;
	p0 =	seq.s32 s7, s2  }
0x1e: {  	s7 =	smul.u32 @!p0 $0xF7A, s2;
	p2 =	seq.s32 @!p0 s5, $0x0  }
0x1f: {  	s9 =	smul.u32 $0xF7A, s1;
	s8 =	simm.s32 @!p0 $0x1BF5;
	p2 =	por !p2, p0  }
0x20: {  	[sflag:s8] =	ssyncset.s32 @!p0 $0xFFFFF086;
	s6 =	sadd.s32 @!p0 s3, s7;
	s7 =	simm.s32 @!p0 $0x108  }
0x21: {  	s3 =	sadd.s32 s3, s9;
	s6 =	sadd.s32 @!p0 $0x88, s6;
	s7 =	simm.s32 @p2 $0x1082  }
0x22: {  	[simem:s7], [sflag:s8] =	dma.local @!p0 [hbm:s6], $0xF7A  }
0x23: {  	s9 =	sor.u32 $0xD0000000, s2;
	s6 =	simm.s32 $0x108;
	_ =	swait.ge @!p0 [sflag:s8], $0x0  }
0x24: {  	s3 =	sadd.s32 $0x88, s3;
	s6 =	simm.s32 @!p1 $0x1082;
	[sflag:s4] =	ssyncset.s32 $0xFFFFF086  }
0x25: {  	[simem:s6], [sflag:s4] =	dma.local [hbm:s3], $0xF7A  }
0x26: {  	[smem:$0x3FA0] =	sst s1;
	(tag) =	ssettag s2;
	_ =	strace s9  }
0x27: {  	s1 =	sld [smem:$0x3FB0]  }
0x28: {  	s2 =	sld [smem:$0x3FB1]  }
0x29: {  	s4 =	sld [smem:$0x3FB3]  }
0x2a: {  	p0 =	seq.s32 s5, $0x0;
	s5 =	sld [smem:$0x3FB4]  }
0x2b: {  	s6 =	sld [smem:$0x3FB5]  }
0x2c: {  	s7 =	sld [smem:$0x3FB6]  }
0x2d: {  	s3 =	simm.s32 $0x108;
	s8 =	sld [smem:$0x3FB7]  }
0x2e: {  	s3 =	simm.s32 @!p0 $0x1082;
	s9 =	sld [smem:$0x3FB8]  }
0x2f: {  	lr =	sadd.s32 s0, s3;
	s0 =	sld [smem:$0x3FAF]  }
0x30: {  	s3 =	sld [smem:$0x3FB2]  }
0x31: {  	[smem:$0x3FBB] =	sst s10  }
0x32: {  	s10 =	sld [smem:$0x3FB9];
	_ =	sdelay $0x3  }
0x33: {  	p0 =	seq.s32 s10, $0x1;
	s10 =	sld [smem:$0x3FBB];
	_ =	sdelay $0x3  }
0x34: {  	[smem:$0x3FBB] =	sst s10  }
0x35: {  	s10 =	sld [smem:$0x3FBA];
	_ =	sdelay $0x3  }
0x36: {  	p1 =	seq.s32 s10, $0x1;
	s10 =	sld [smem:$0x3FBB];
	_ =	sdelay $0x3  }
0x37: {  	[smem:$0x3FBB] =	sst s10  }
0x38: {  	s10 =	sld [smem:$0x3FBC]  }
0x39: {  	_ = 	snop;
	(pc) =	sbr.ind lr, $3  }
0x3a: {  	_ = 	snop  }
0x3b: {  	_ = 	snop  }
0x3c: {  	p2 =	seq.s32 s10, $0x1;
	s10 =	sld [smem:$0x3FBB]  }
0x3d: {  	_ =	shalt  }
0x3e: {  	_ =	shalt  }
0x3f: {  	_ =	shalt  }
0x40: {  	_ =	shalt  }
0x41: {  	_ =	shalt  }
0x42: {  	_ =	shalt  }
0x43: {  	_ =	shalt  }
0x44: {  	_ =	shalt  }
0x45: {  	_ =	shalt  }
0x46: {  	_ =	shalt  }
0x47: {  	_ =	shalt  }
0x48: {  	_ =	shalt  }
0x49: {  	_ =	shalt  }
0x4a: {  	_ =	shalt  }
0x4b: {  	_ =	shalt  }
0x4c: {  	_ =	shalt  }
0x4d: {  	_ =	shalt  }
0x4e: {  	_ =	shalt  }
0x4f: {  	_ =	shalt  }
0x50: {  	_ =	shalt  }
0x51: {  	_ =	shalt  }
0x52: {  	_ =	shalt  }
0x53: {  	_ =	shalt  }
0x54: {  	_ =	shalt  }
0x55: {  	_ =	shalt  }
0x56: {  	_ =	shalt  }
0x57: {  	_ =	shalt  }
0x58: {  	_ =	shalt  }
0x59: {  	_ =	shalt  }
0x5a: {  	_ =	shalt  }
0x5b: {  	_ =	shalt  }
0x5c: {  	_ =	shalt  }
0x5d: {  	_ =	shalt  }
0x5e: {  	_ =	shalt  }
0x5f: {  	_ =	shalt  }
0x60: {  	_ =	shalt  }
0x61: {  	_ =	shalt  }
0x62: {  	_ =	shalt  }
0x63: {  	_ =	shalt  }
0x64: {  	_ =	shalt  }
0x65: {  	_ =	shalt  }
0x66: {  	_ =	shalt  }
0x67: {  	_ =	shalt  }
0x68: {  	_ =	shalt  }
0x69: {  	_ =	shalt  }
0x6a: {  	_ =	shalt  }
0x6b: {  	_ =	shalt  }
0x6c: {  	_ =	shalt  }
0x6d: {  	_ =	shalt  }
0x6e: {  	_ =	shalt  }
0x6f: {  	_ =	shalt  }
0x70: {  	_ =	shalt  }
0x71: {  	_ =	shalt  }
0x72: {  	_ =	shalt  }
0x73: {  	_ =	shalt  }
0x74: {  	_ =	shalt  }
0x75: {  	_ =	shalt  }
0x76: {  	_ =	shalt  }
0x77: {  	_ =	shalt  }
0x78: {  	_ =	shalt  }
0x79: {  	_ =	shalt  }
0x7a: {  	_ =	shalt  }
0x7b: {  	_ =	shalt  }
0x7c: {  	_ =	shalt  }
0x7d: {  	_ =	shalt  }
0x7e: {  	_ =	shalt  }
0x7f: {  	_ =	shalt  }
0x80: {  	_ =	shalt  }
0x81: {  	_ =	shalt  }
0x82: {  	_ =	shalt  }
0x83: {  	_ =	shalt  }
0x84: {  	_ =	shalt  }
0x85: {  	_ =	shalt  }
0x86: {  	_ =	shalt  }
0x87: {  	_ =	shalt  }
.Lfunc_end0:
.L_simem_size_0:
called_computation_lowered:
.L_overlay_start_0:
0x88: {  	s0 =	sld [smem:$0x3FD9]  }
0x89: {  	s1 =	sld [smem:$0x3FFE];
	_ =	sdelay $0x3  }
0x8a: {  	s0 =	sadd.s32 s1, s0  }
0x8b: {  	[smem:$0x3FC7] =	sst s0  }
0x8c: {  	_ = 	snop  }
0x8d: {  	s0 =	sld [smem:$0x3FC9]  }
0x8e: {  	s17 =	sld [smem:$0x3FD0];
	(tm) =	ssettm $0x1  }
0x8f: {  	s2 =	sld [smem:$0x3FFB];
	_ =	sdelay $0x3  }
0x90: {  	_ =	strace s2  }
0x91: {  	s2 =	sld [smem:$0x3FFC];
	_ =	sdelay $0x3  }
0x92: {  	_ =	strace s2  }
0x93: {  	s2 =	sld [smem:$0x3FFD];
	_ =	sdelay $0x3  }
0x94: {  	_ =	strace s2  }
0x95: {  	_ =	strace $0x8FFFFFFF  }
0x96: {  	s18 =	sld [smem:$0x3FDB];
	_ =	sdelay $0x1  }
0x97: {  	s3 =	simm.s32 $_scs_section_size  }
0x98: {  	s4 =	simm.s32 $_size__tile_overlayer_lowered;
	s5 =	simm.s32 $_tile_overlayer_lowered  }
0x99: {  	s21 =	simm.s32 $0x1BFF;
	s20 =	sshll.u32 s5, $0x1;
	s2 =	sadd.s32 s3, s18  }
0x9a: {  	s6 =	simm.s32 $0x0;
	s19 =	sshll.u32 s4, $0x1;
	s4 =	sadd.s32 s20, s2  }
0x9b: {  	[timem:s6], [sflag:s21] =	dma.local [hbm:s4], s19  }
0x9c: {  	_ =	swait.ge [sflag:s21], s19  }
0x9d: {  	s3 =	ssub.s32 $0x0, s19;
	[sflag:s21] =	ssyncset.done $0x0  }
0x9e: {  	[sflag:s21] =	ssyncadd.s32 s3;
	_ =	sdelay $0x1  }
0x9f: {  	s22 =	simm.s32 $0x1B8B  }
0xa0: {  	_ =	swait.ge [sflag:s22], $0x1  }
0xa1: {  	[sflag:s22] =	ssyncset.done $0x0  }
0xa2: {  	s23 =	simm.s32 $0x1B8E;
	[sflag:s22] =	ssyncadd.s32 $0xFFFFFFFF  }
0xa3: {  	s24 =	simm.s32 $execute0_lowered;
	[smem:$0x3FD2] =	sst s23  }
0xa4: {  	s3 =	sshll.u32 s24, $0x1;
	_ =	strace $0x80000046;
	[dreg:$0x1] =	wrdreg $0xFFFFFFFF  }
0xa5: {  	s25 =	simm.s32 $_size_execute0_lowered;
	s2 =	sadd.s32 s2, s3;
	[dreg:$0x0] =	wrdreg $0x0  }
0xa6: {  	s3 =	sshll.u32 s25, $0x1;
	[dreg:$0x2] =	wrdreg s2  }
0xa7: {  	[dreg:$0x3] =	wrdreg s3  }
0xa8: {  	[dreg:$0x4] =	wrdreg $0xC0  }
0xa9: {  	_ =	task [dreg:s6], $0x5FFFF  }
0xaa: {  	[dreg:$0x1] =	wrdreg $0xFFFFFFFF  }
0xab: {  	[dreg:$0x0] =	wrdreg $0x60  }
0xac: {  	[dreg:$0x2] =	wrdreg s0  }
0xad: {  	[dreg:$0x3] =	wrdreg s17  }
0xae: {  	[dreg:$0x4] =	wrdreg $0x3000  }
0xaf: {  	[dreg:$0x5] =	wrdreg $0x9  }
0xb0: {  	_ =	task.clear_ibuf [dreg:s6], $0x6FFFF;
	_ =	strace $0x90000046  }
0xb1: {  	s26 =	simm.s32 $0x9;
	_ =	strace $0x80000048  }
0xb2: {  	_ =	swait.ge [sflag:s26], $0x1  }
0xb3: {  	[sflag:s26] =	ssyncadd.s32 $0xFFFFFFFF  }
0xb4: {  	_ =	strace $0x90000048  }
0xb5: {  	_ =	sfence  }
0xb6: {  	s28 =	sld [smem:$0x0];
	_ =	sdelay $0x1  }
0xb7: {  	s29 =	srdreg.scid  }
0xb8: {  	s30 =	sshll.u32 s29, $0xD;
	s31 =	sshrl.u32 s29, $0x2  }
0xb9: {  	s1 =	sand.u32 $0x1, s29;
	s2 =	sand.u32 $0x4000, s30;
	s0 =	sadd.s32 s31, s28  }
0xba: {  	s1 =	sor.u32 s2, s1;
	s0 =	sshll.u32 s0, $0x11  }
0xbb: {  	s0 =	sor.u32 s0, s1  }
0xbc: {  	s0 =	sadd.s32 $0x8F2B, s0  }
0xbd: {  	[sflag:s0] =	ssyncadd.remote.s32 $0x1  }
0xbe: {  	_ =	sfence.sel $0xFFFF  }
0xbf: {  	[dreg:$0x0] =	wrdreg $0xFFFFFFFF;
	(pc) =	sbr.abs _section_cstart, $3  }
0xc0: {  	[dreg:$0x1] =	wrdreg $0xFFFFFFFF  }
0xc1: {  	_ =	task.clear_ibuf [dreg:s6], $0x2FFFF;
	_ =	strace $0x9FFFFFFF  }
0xc2: {  	(tm) =	ssettm $0x7FFFFFFF  }
0xc3: {  	_ =	shalt  }
tec
execute0_lowered:
.L_overlay_start_1:
0x0: {  	(tag) =	ssettag $0x1  }
0x1: {  	s3 =	rddreg [dreg:$0x0]  }
0x2: {  	s1 =	rddreg [dreg:$0x1]  }
0x3: {  	s4 =	rddreg [dreg:$0x2];
	s2 =	simm.s32 $0x0;
	s5 =	stileid.u32  }
0x4: {  	[smem:$0x7FF] =	sst s2;
	s6 =	sshll.u32 s5, $0x6  }
0x5: {  	s0 =	rddreg [dreg:$0x3];
	_ =	strace $0x80000047;
	s3 =	sadd.s32 s3, s6  }
0x6: {  	[tilespmem:s2], [sflag:$0x1] =	stream.linear.gather [hbm4b:s3+s2], $0x200, $0x38;
	[tilespmem:$0x13A0] =	vst v63  }
0x7: {  	s3 =	simm.s32 $0x1  }
0x8: {  	_ =	swait.ge [sflag:s3], $0x200  }
0x9: {  	[sflag:s3] =	ssyncset.done $0x0  }
0xa: {  	[sflag:s3] =	ssyncadd.s32 $0xFFFFFE00  }
0xb: {  	v0 =	vld [tilespmem:$0x0]  }
0xc: {  	v1 =	vld [tilespmem:$0x10]  }
0xd: {  	v2 =	vld [tilespmem:$0x20]  }
0xe: {  	v3 =	vld [tilespmem:$0x30]  }
0xf: {  	v4 =	vld [tilespmem:$0x40]  }
0x10: {  	v6 =	vld [tilespmem:$0x50]  }
0x11: {  	v53 =	vld [tilespmem:$0x60]  }
0x12: {  	v9 =	vld [tilespmem:$0x70]  }
0x13: {  	v11 =	vld [tilespmem:$0x80]  }
0x14: {  	v13 =	vld [tilespmem:$0x90]  }
0x15: {  	v15 =	vld [tilespmem:$0xA0];
	v5 =	vmul.f32 $1.442695020e+00, v0  }
0x16: {  	v18 =	vld [tilespmem:$0xB0];
	v7 =	vmul.f32 $1.442695020e+00, v1;
	v48 =	vmul.f32 $1.442695020e+00, v2  }
0x17: {  	v20 =	vld [tilespmem:$0xC0];
	v49 =	vmul.f32 $1.442695020e+00, v3;
	v50 =	vmul.f32 $1.442695020e+00, v4  }
0x18: {  	v21 =	vld [tilespmem:$0xD0];
	v51 =	vmul.f32 $1.442695020e+00, v6;
	(erf) = vpow2.f32 v5  }
0x19: {  	v22 =	vld [tilespmem:$0xE0];
	v17 =	vmul.f32 $1.442695020e+00, v53;
	(erf) = vpow2.f32 v7  }
0x1a: {  	v23 =	vld [tilespmem:$0xF0];
	v19 =	vmul.f32 $1.442695020e+00, v9;
	(erf) = vpow2.f32 v48  }
0x1b: {  	v24 =	vld [tilespmem:$0x100];
	v54 =	vmul.f32 $1.442695020e+00, v11;
	(erf) = vpow2.f32 v49  }
0x1c: {  	v25 =	vld [tilespmem:$0x110];
	v55 =	vmul.f32 $1.442695020e+00, v13;
	(erf) = vpow2.f32 v50  }
0x1d: {  	v56 =	vmul.f32 $1.442695020e+00, v15;
	(erf) = vpow2.f32 v51  }
0x1e: {  	v57 =	vmul.f32 $1.442695020e+00, v18;
	v58 =	vmul.f32 $1.442695020e+00, v20  }
0x1f: {  	v59 =	vmul.f32 $1.442695020e+00, v21;
	v60 =	vmul.f32 $1.442695020e+00, v22  }
0x20: {  	v61 =	vmul.f32 $1.442695020e+00, v23;
	v62 =	vmul.f32 $1.442695020e+00, v24  }
0x21: {  	v27 =	vmul.f32 $1.442695020e+00, v25;
	v52 =	vpop (erf);
	(erf) = vpow2.f32 v17  }
0x22: {  	v8 =	vpop (erf);
	v0 =	vmul.f32 v52, v0;
	v5 =	vadd.f32 $0.0e+00, v52;
	(erf) = vpow2.f32 v19  }
0x23: {  	v17 =	vld [tilespmem:$0x130];
	v10 =	vpop (erf);
	v1 =	vmul.f32 v8, v1;
	(erf) = vpow2.f32 v54;
	v8 =	vadd.f32 $0.0e+00, v8  }
0x24: {  	v12 =	vpop (erf);
	v2 =	vmul.f32 v10, v2;
	v0 =	vadd.f32 $0.0e+00, v0;
	(erf) = vpow2.f32 v55  }
0x25: {  	v19 =	vld [tilespmem:$0x120];
	v5 =	vadd.f32 v10, v5;
	v3 =	vmul.f32 v12, v3;
	v14 =	vpop (erf);
	(erf) = vpow2.f32 v56  }
0x26: {  	v45 =	vld [tilespmem:$0x140];
	v1 =	vadd.f32 $0.0e+00, v1;
	v8 =	vadd.f32 v12, v8;
	v16 =	vpop (erf);
	(erf) = vpow2.f32 v57  }
0x27: {  	v51 =	vld [tilespmem:$0x160];
	v4 =	vmul.f32 v14, v4;
	v0 =	vadd.f32 v2, v0;
	(erf) = vpow2.f32 v58  }
0x28: {  	v63 =	vadd.f32 v14, v5;
	v31 =	vmul.f32 $1.442695020e+00, v17;
	(erf) = vpow2.f32 v59  }
0x29: {  	v55 =	vld [tilespmem:$0x170];
	v6 =	vmul.f32 v16, v6;
	v1 =	vadd.f32 v3, v1;
	(erf) = vpow2.f32 v60  }
0x2a: {  	v29 =	vmul.f32 $1.442695020e+00, v19;
	v8 =	vadd.f32 v16, v8;
	v26 =	vpop (erf);
	(erf) = vpow2.f32 v61  }
0x2b: {  	v0 =	vadd.f32 v4, v0;
	v59 =	vld [tilespmem:$0x180];
	v61 =	vmul.f32 $1.442695020e+00, v45;
	v28 =	vpop (erf);
	(erf) = vpow2.f32 v62  }
0x2c: {  	v32 =	vmul.f32 v26, v53;
	v34 =	vadd.f32 v26, v63;
	v26 =	vmul.f32 $1.442695020e+00, v51  }
0x2d: {  	v1 =	vadd.f32 v6, v1;
	v30 =	vpop (erf);
	(erf) = vpow2.f32 v27;
	v35 =	vmul.f32 v28, v9  }
0x2e: {  	v62 =	vld [tilespmem:$0x190];
	v4 =	vadd.f32 v28, v8;
	v28 =	vmul.f32 $1.442695020e+00, v55;
	v33 =	vpop (erf);
	(erf) = vpow2.f32 v29  }
0x2f: {  	v27 =	vld [tilespmem:$0x1B0];
	v0 =	vadd.f32 v32, v0;
	v37 =	vmul.f32 v30, v11;
	v2 =	vadd.f32 v30, v34;
	v36 =	vpop (erf)  }
0x30: {  	v29 =	vld [tilespmem:$0x1C0];
	v30 =	vmul.f32 $1.442695020e+00, v59;
	(erf) = vpow2.f32 v31;
	v1 =	vadd.f32 v35, v1;
	v38 =	vpop (erf)  }
0x31: {  	v48 =	vld [tilespmem:$0x150];
	v39 =	vmul.f32 v33, v13;
	v4 =	vadd.f32 v33, v4;
	v0 =	vadd.f32 v37, v0;
	v40 =	vpop (erf)  }
0x32: {  	v31 =	vld [tilespmem:$0x1D0];
	v41 =	vmul.f32 v36, v15;
	v2 =	vadd.f32 v36, v2;
	v43 =	vmul.f32 v38, v18;
	v42 =	vpop (erf)  }
0x33: {  	v33 =	vld [tilespmem:$0x1E0];
	v1 =	vadd.f32 v39, v1;
	v32 =	vmul.f32 $1.442695020e+00, v62;
	v46 =	vmul.f32 v40, v20;
	v44 =	vpop (erf)  }
0x34: {  	v35 =	vld [tilespmem:$0x1F0];
	v4 =	vadd.f32 v38, v4;
	v36 =	vmul.f32 $1.442695020e+00, v27;
	v49 =	vmul.f32 v42, v21;
	v47 =	vpop (erf)  }
0x35: {  	v0 =	vadd.f32 v41, v0;
	v37 =	vmul.f32 $1.442695020e+00, v29;
	v52 =	vmul.f32 v44, v22;
	v50 =	vpop (erf)  }
0x36: {  	v2 =	vadd.f32 v40, v2;
	(erf) = vpow2.f32 v61;
	v54 =	vpop (erf);
	v56 =	vmul.f32 v50, v24  }
0x37: {  	v1 =	vadd.f32 v43, v1;
	v24 =	vmul.f32 $1.442695020e+00, v48;
	v57 =	vmul.f32 v54, v25;
	v25 =	vld [tilespmem:$0x1A0]  }
0x38: {  	v4 =	vadd.f32 v42, v4;
	v38 =	vmul.f32 $1.442695020e+00, v31;
	v39 =	vmul.f32 $1.442695020e+00, v33  }
0x39: {  	v0 =	vadd.f32 v46, v0;
	v41 =	vmul.f32 $1.442695020e+00, v35;
	(erf) = vpow2.f32 v24  }
0x3a: {  	v2 =	vadd.f32 v44, v2;
	v53 =	vmul.f32 v47, v23;
	(erf) = vpow2.f32 v26  }
0x3b: {  	v1 =	vadd.f32 v49, v1;
	v4 =	vadd.f32 v47, v4;
	v58 =	vpop (erf);
	(erf) = vpow2.f32 v28  }
0x3c: {  	v0 =	vadd.f32 v52, v0;
	v60 =	vpop (erf);
	(erf) = vpow2.f32 v30;
	v34 =	vmul.f32 $1.442695020e+00, v25  }
0x3d: {  	v2 =	vadd.f32 v50, v2;
	v1 =	vadd.f32 v53, v1;
	(erf) = vpow2.f32 v32  }
0x3e: {  	v4 =	vadd.f32 v54, v4;
	v19 =	vmul.f32 v58, v19;
	(erf) = vpow2.f32 v34  }
0x3f: {  	v0 =	vadd.f32 v56, v0;
	v2 =	vadd.f32 v58, v2;
	(erf) = vpow2.f32 v36  }
0x40: {  	v63 =	vmul.f32 v60, v17;
	v1 =	vadd.f32 v57, v1;
	(erf) = vpow2.f32 v37  }
0x41: {  	v3 =	vadd.f32 v60, v4;
	v0 =	vadd.f32 v19, v0;
	v40 =	vpop (erf);
	(erf) = vpow2.f32 v38  }
0x42: {  	v1 =	vadd.f32 v63, v1;
	v43 =	vmul.f32 v40, v45;
	v42 =	vpop (erf);
	(erf) = vpow2.f32 v39  }
0x43: {  	v2 =	vadd.f32 v40, v2;
	v44 =	vmul.f32 v42, v48;
	v45 =	vpop (erf);
	(erf) = vpow2.f32 v41  }
0x44: {  	v0 =	vadd.f32 v43, v0;
	v3 =	vadd.f32 v42, v3;
	v46 =	vpop (erf);
	v47 =	vmul.f32 v45, v51  }
0x45: {  	v2 =	vadd.f32 v45, v2;
	v48 =	vpop (erf);
	v1 =	vadd.f32 v44, v1;
	v49 =	vmul.f32 v46, v55  }
0x46: {  	v3 =	vadd.f32 v46, v3;
	v50 =	vpop (erf);
	v0 =	vadd.f32 v47, v0;
	v51 =	vmul.f32 v48, v59  }
0x47: {  	v2 =	vadd.f32 v48, v2;
	v1 =	vadd.f32 v49, v1;
	v53 =	vmul.f32 v50, v62;
	v52 =	vpop (erf)  }
0x48: {  	v3 =	vadd.f32 v50, v3;
	v0 =	vadd.f32 v51, v0;
	v54 =	vpop (erf);
	v55 =	vmul.f32 v52, v25  }
0x49: {  	v1 =	vadd.f32 v53, v1;
	v2 =	vadd.f32 v52, v2;
	v56 =	vpop (erf);
	v57 =	vmul.f32 v54, v27  }
0x4a: {  	v3 =	vadd.f32 v54, v3;
	v58 =	vpop (erf);
	v0 =	vadd.f32 v55, v0;
	v59 =	vmul.f32 v56, v29  }
0x4b: {  	v2 =	vadd.f32 v56, v2;
	v60 =	vpop (erf);
	v1 =	vadd.f32 v57, v1;
	v61 =	vmul.f32 v58, v31  }
0x4c: {  	v3 =	vadd.f32 v58, v3;
	v0 =	vadd.f32 v59, v0;
	v62 =	vpop (erf)  }
0x4d: {  	v63 =	vmul.f32 v60, v33;
	v1 =	vadd.f32 v61, v1;
	v7 =	vmul.f32 v62, v35  }
0x4e: {  	v2 =	vadd.f32 v60, v2;
	v3 =	vadd.f32 v62, v3  }
0x4f: {  	v0 =	vadd.f32 v63, v0;
	v1 =	vadd.f32 v7, v1  }
0x50: {  	v2 =	vadd.f32 v3, v2  }
0x51: {  	v0 =	vadd.f32 v1, v0  }
0x52: {  	s31 =	sshll.u32 s5, $0x8;
	[tilespmem:$0x200] =	vst v2  }
0x53: {  	s7 =	simm.s32 $0x200;
	s6 =	sadd.s32 s31, s4;
	[tilespmem:$0x280] =	vst v0  }
0x54: {  	[spmem:s6] =	stream.linear.scatter [tilespmem:s7], [sflag:$0x1], $0x100, $0x38;
	[tilespmem:$0x13A0] =	vst v63  }
0x55: {  	_ =	swait.ge [sflag:s3], $0x100  }
0x56: {  	[sflag:s3] =	ssyncset.done $0x0  }
0x57: {  	[sflag:s3] =	ssyncadd.s32 $0xFFFFFF00  }
0x58: {  	p0 =	sne.s32 s5, $0x0;
	[bflag:$0x0] =	sbarrier.arrive $0xFFFF  }
0x59: {  	_ =	sfence.sel @p0 $0x180000  }
0x5a: {  	[bflag:$0x0] =	sbarrier.arrive @p0 $0xFFFF  }
0x5b: {  	_ =	strace @p0 $0x90000047  }
0x5c: {  	[bflag:$0x2] =	sbarrier.arrive @p0 $0xFFFF  }
0x5d: {  	_ =	shalt @p0  }
.LBB2_1:
0x5e: {  	s5 =	simm.s32 $0x320  }
0x5f: {  	[tilespmem:s5], [sflag:$0x1] =	stream.linear.gather [spmem:s4], $0x1000, $0x38;
	[tilespmem:$0x13A0] =	vst v63  }
0x60: {  	_ =	swait.ge [sflag:s3], $0x1000  }
0x61: {  	[sflag:s3] =	ssyncset.done $0x0  }
0x62: {  	[sflag:s3] =	ssyncadd.s32 $0xFFFFF000  }
0x63: {  	v0 =	vld [tilespmem:$0x320]  }
0x64: {  	v1 =	vld [tilespmem:$0x420];
	_ =	sdelay $0x1  }
0x65: {  	v2 =	vld [tilespmem:$0x520];
	_ =	sdelay $0x1  }
0x66: {  	v3 =	vld [tilespmem:$0x620]  }
0x67: {  	v0 =	vadd.f32 v1, v0  }
0x68: {  	v19 =	vld [tilespmem:$0x720]  }
0x69: {  	v4 =	vld [tilespmem:$0x3A0];
	v0 =	vadd.f32 v2, v0  }
0x6a: {  	v20 =	vld [tilespmem:$0x820]  }
0x6b: {  	v5 =	vld [tilespmem:$0x4A0];
	v0 =	vadd.f32 v3, v0  }
0x6c: {  	v21 =	vld [tilespmem:$0x920]  }
0x6d: {  	v6 =	vld [tilespmem:$0x5A0];
	v0 =	vadd.f32 v19, v0  }
0x6e: {  	v23 =	vld [tilespmem:$0xA20]  }
0x6f: {  	v7 =	vld [tilespmem:$0x6A0];
	v0 =	vadd.f32 v20, v0  }
0x70: {  	v25 =	vld [tilespmem:$0xB20]  }
0x71: {  	v24 =	vld [tilespmem:$0x7A0];
	v22 =	vadd.f32 v5, v4;
	v0 =	vadd.f32 v21, v0  }
0x72: {  	v27 =	vld [tilespmem:$0xC20]  }
0x73: {  	v26 =	vld [tilespmem:$0x8A0];
	v1 =	vadd.f32 v6, v22;
	v0 =	vadd.f32 v23, v0  }
0x74: {  	v29 =	vld [tilespmem:$0xD20]  }
0x75: {  	v28 =	vld [tilespmem:$0x9A0];
	v1 =	vadd.f32 v7, v1;
	v0 =	vadd.f32 v25, v0  }
0x76: {  	v31 =	vld [tilespmem:$0xE20]  }
0x77: {  	v30 =	vld [tilespmem:$0xAA0];
	v1 =	vadd.f32 v24, v1;
	v0 =	vadd.f32 v27, v0  }
0x78: {  	v33 =	vld [tilespmem:$0xF20]  }
0x79: {  	v32 =	vld [tilespmem:$0xBA0];
	v1 =	vadd.f32 v26, v1;
	v0 =	vadd.f32 v29, v0  }
0x7a: {  	v35 =	vld [tilespmem:$0x1020]  }
0x7b: {  	v34 =	vld [tilespmem:$0xCA0];
	v1 =	vadd.f32 v28, v1;
	v0 =	vadd.f32 v31, v0  }
0x7c: {  	v39 =	vimm.s32 $0xEFCDAB89;
	v37 =	vld [tilespmem:$0x1120]  }
0x7d: {  	v8 =	vimm.s32 $0x67452301;
	v36 =	vld [tilespmem:$0xDA0];
	v1 =	vadd.f32 v30, v1;
	v0 =	vadd.f32 v33, v0  }
0x7e: {  	v8 =	vunpack.c.l.s4.s8 v8;
	v40 =	vld [tilespmem:$0x1220];
	v3 =	vunpack.c.l.s4.s8 v39  }
0x7f: {  	v1 =	vadd.f32 v32, v1;
	v0 =	vadd.f32 v35, v0  }
0x80: {  	v42 =	vimm.s32 $0xDCFE98BA;
	v41 =	vunpack.c.0.s8.s32 v8;
	v38 =	vld [tilespmem:$0xEA0];
	v3 =	vunpack.c.0.s8.s32 v3  }
0x81: {  	v43 =	vimm.s32 $0x54761032;
	v1 =	vadd.f32 v34, v1;
	v0 =	vadd.f32 v37, v0  }
0x82: {  	v45 =	vunpack.c.l.s4.s8 v43;
	v44 =	vld [tilespmem:$0xFA0];
	v2 =	vunpack.c.l.s4.s8 v42;
	v3 =	vcombine.low v41, v3  }
0x83: {  	v48 =	vimm.s32 $0xBA98FEDC;
	v1 =	vadd.f32 v36, v1;
	v0 =	vadd.f32 v40, v0  }
0x84: {  	v46 =	vld [tilespmem:$0x10A0];
	v4 =	vunpack.c.0.s8.s32 v45;
	v2 =	vunpack.c.0.s8.s32 v2;
	v3 =	vand.u32 $0xF, v3  }
0x85: {  	v9 =	vimm.s32 $0x32107654;
	v1 =	vadd.f32 v38, v1;
	v47 =	vperm.xlane v0, v3  }
0x86: {  	v9 =	vunpack.c.l.s4.s8 v9;
	v49 =	vld [tilespmem:$0x11A0];
	v7 =	vunpack.c.l.s4.s8 v48;
	v2 =	vcombine.low v4, v2  }
0x87: {  	v1 =	vadd.f32 v44, v1;
	v0 =	vadd.f32 v47, v0  }
0x88: {  	v51 =	vunpack.c.0.s8.s32 v9;
	v50 =	vld [tilespmem:$0x12A0];
	v7 =	vunpack.c.0.s8.s32 v7;
	v2 =	vand.u32 $0xF, v2  }
0x89: {  	v53 =	vimm.s32 $0xFEDCBA98;
	v1 =	vadd.f32 v46, v1;
	v52 =	vperm.xlane v0, v2  }
0x8a: {  	v54 =	vimm.s32 $0x76543210;
	v9 =	vunpack.c.l.s4.s8 v53;
	v7 =	vcombine.low v51, v7  }
0x8b: {  	v55 =	vunpack.c.l.s4.s8 v54;
	v1 =	vadd.f32 v49, v1;
	v0 =	vadd.f32 v52, v0  }
0x8c: {  	v57 =	vunpack.c.0.s8.s32 v9;
	v56 =	vand.u32 $0xF, v7  }
0x8d: {  	v4 =	vunpack.c.0.s8.s32 v55;
	v1 =	vadd.f32 v50, v1;
	v58 =	vperm.xlane v0, v56  }
0x8e: {  	v7 =	vand.u32 $0xF, v57  }
0x8f: {  	v4 =	vcombine.low v7, v4;
	v3 =	vperm.xlane v1, v3;
	v0 =	vadd.f32 v58, v0;
	_ =	sdelay $0x1  }
0x90: {  	v1 =	vadd.f32 v3, v1;
	v6 =	vperm.xlane v0, v4;
	_ =	sdelay $0x1  }
0x91: {  	v2 =	vperm.xlane v1, v2;
	v0 =	vadd.f32 v6, v0;
	_ =	sdelay $0x1  }
0x92: {  	v1 =	vadd.f32 v2, v1;
	(erf) = vrcp.f32 v0;
	_ =	sdelay $0x1  }
0x93: {  	v2 =	vperm.xlane v1, v56;
	_ =	sdelay $0x1  }
0x94: {  	v1 =	vadd.f32 v2, v1;
	_ =	sdelay $0x1  }
0x95: {  	v2 =	vperm.xlane v1, v4;
	_ =	sdelay $0x1  }
0x96: {  	v1 =	vadd.f32 v2, v1  }
0x97: {  	v59 =	vpop (erf)  }
0x98: {  	v1 =	vmul.f32 v1, v59;
	_ =	sdelay $0x1  }
0x99: {  	v1 =	vadd.f32 $2.703274010e+00, v1;
	_ =	sdelay $0x1  }
0x9a: {  	v1 =	vmul.f32 $1.442695020e+00, v1;
	_ =	sdelay $0x1  }
0x9b: {  	(erf) = vpow2.f32 v1;
	_ =	sdelay $0x8  }
0x9c: {  	v1 =	vpop (erf)  }
0x9d: {  	v60 =	vmul.f32 $3.675834660e+01, v1  }
0x9e: {  	v61 =	vmul.f32 $1.492852780e+01, v1  }
0x9f: {  	v62 =	vimm.s32 $0x20;
	vm0 =	vlt.f32 v0, v60  }
0xa0: {  	vm1 =	vlt.f32 v0, v61;
	v2 =	vsel vm0, $0x8, v62  }
0xa1: {  	vm15 =	vlt.f32 v0, v1;
	v63 =	vsel vm1, $0x4, v2  }
0xa2: {  	v0 =	vsel vm15, $0x2, v63  }
0xa3: {  	s31 =	simm.s32 $0x1320;
	[tilespmem:$0x1320] =	vst v0  }
0xa4: {  	[hbm4b:s1+s2] =	stream.linear.scatter [tilespmem:s31], [sflag:$0x1], $0x80, $0x38;
	[tilespmem:$0x13A0] =	vst v63  }
0xa5: {  	_ =	swait.ge [sflag:s3], $0x80  }
0xa6: {  	[sflag:s3] =	ssyncset.done $0x0  }
0xa7: {  	[sflag:s3] =	ssyncadd.s32 $0xFFFFFF80  }
0xa8: {  	_ =	sfence.sel $0x180000  }
0xa9: {  	[bflag:$0x0] =	sbarrier.arrive $0xFFFF  }
0xaa: {  	_ =	strace $0x90000047  }
0xab: {  	s0 =	sadd.s32 $0x100000, s0;
	[bflag:$0x2] =	sbarrier.arrive $0xFFFF  }
0xac: {  	[sflag:s0] =	ssyncadd.tile.s32 $0x1;
	_ =	shalt  }
.Lfunc_end2:
_tile_overlayer_lowered:
.L_overlay_start_2:
0xad: {  	(tag) =	ssettag $0x2  }
0xae: {  	s0 =	rddreg [dreg:$0x0];
	s2 =	stileid.u32  }
0xaf: {  	s1 =	rddreg [dreg:$0x1];
	p0 =	sne.s32 s2, $0x0  }
0xb0: {  	s3 =	rddreg [dreg:$0x2];
	[bflag:$0x3] =	sbarrier.arrive $0xFFFF;
	s2 =	simm.s32 @!p0 $0x1C01  }
0xb1: {  	[timem:s3], [sflag:s2] =	dma.local @!p0 [hbm:s0], s1  }
0xb2: {  	s0 =	simm.s32 @!p0 $0x1  }
0xb3: {  	_ =	swait.ge @!p0 [sflag:s0], s1  }
0xb4: {  	s1 =	ssub.s32 @!p0 $0x0, s1;
	[sflag:s0] =	ssyncset.done @!p0 $0x0  }
0xb5: {  	[sflag:s0] =	ssyncadd.s32 @!p0 s1  }
0xb6: {  	[bflag:$0x3] =	sbarrier.arrive $0xFFFF  }
0xb7: {  	_ =	shalt  }

</sc_bundles>
